<compile_context>
chip_gen: v7x
topology: tpu7x:2x2x1
jax: 0.10.2.dev20260603
libtpu: 0.0.44.dev20260713+nightly
codegen_flags: <defaults>
</compile_context>

<pallas_src>
import functools

import jax
import jax.numpy as jnp
from jax import lax
from jax.experimental import pallas as pl
from jax.experimental.pallas import tpu as pltpu
from jax.experimental.pallas import tpu_sc as plsc

_N = 256
_D = 256
_TOPK = 5
_L = 16
_H = _D // 2
_NBH = _H // _L
_PAD_IDX = 9999.0


def _splat_f(v):
    return jnp.full((_L,), v, jnp.float32)


def _splat_i(v):
    return jnp.full((_L,), v, jnp.int32)


def _tree_reduce(vals, op):
    vals = list(vals)
    while len(vals) > 1:
        nxt = [op(vals[i], vals[i + 1]) for i in range(0, len(vals) - 1, 2)]
        if len(vals) % 2:
            nxt.append(vals[-1])
        vals = nxt
    return vals[0]


def _sc_top5_body(feat_hbm, pk_hbm, rows_v, bmax_v, out_v):
    cid = lax.axis_index("c")
    sid = lax.axis_index("s")
    rbase = sid * _L
    cbase = cid * _H
    pltpu.sync_copy(feat_hbm.at[pl.ds(rbase, _L), pl.ds(cbase, _H)], rows_v)
    lane = lax.iota(jnp.int32, _L)
    neg = _splat_f(-jnp.inf)
    cbase_v = lax.broadcast(cbase, (_L,))

    def _init_block(k, _):
        cols = [plsc.load_gather(rows_v, [lane, lax.broadcast(k * _L + c,
                                                              (_L,))])
                for c in range(_L)]
        bk = _tree_reduce(cols, jnp.maximum)
        plsc.store_scatter(bmax_v, [lax.broadcast(k, (_L,)), lane], bk)
        return 0

    lax.fori_loop(0, _NBH, _init_block, 0, unroll=False)

    def _pass(p, _):
        bmax = [bmax_v[k, :] for k in range(_NBH)]
        m = _tree_reduce(bmax, jnp.maximum)
        bidx = _tree_reduce(
            [jnp.where(bmax[k] == m, _splat_i(k), _splat_i(_NBH))
             for k in range(_NBH)], jnp.minimum)
        gcol = bidx * _L
        gs = [plsc.load_gather(rows_v, [lane, gcol + c]) for c in range(_L)]
        cidx = _tree_reduce(
            [jnp.where(gs[c] == m, _splat_i(c), _splat_i(_L))
             for c in range(_L)], jnp.minimum)
        lidx = gcol + cidx
        plsc.store_scatter(rows_v, [lane, lidx], neg)
        nb = _tree_reduce(
            [jnp.where(cidx == c, neg, gs[c]) for c in range(_L)],
            jnp.maximum)
        plsc.store_scatter(bmax_v, [bidx, lane], nb)
        pv = lax.broadcast(p, (_L,))
        plsc.store_scatter(out_v, [lane, pv], m)
        plsc.store_scatter(out_v, [lane, pv + 16],
                           (lidx + cbase_v).astype(jnp.float32))
        return 0

    lax.fori_loop(0, _TOPK, _pass, 0, unroll=False)

    for p in range(_TOPK, 8):
        plsc.store_scatter(out_v, [lane, _splat_i(p)], neg)
        plsc.store_scatter(out_v, [lane, _splat_i(16 + p)],
                           _splat_f(_PAD_IDX))

    pltpu.sync_copy(out_v, pk_hbm.at[pl.ds(rbase, _L), pl.ds(cid * _H, _H)])


@functools.cache
def _sc_top5():
    return pl.kernel(
        _sc_top5_body,
        out_type=jax.ShapeDtypeStruct((_N, _N), jnp.float32),
        mesh=plsc.VectorSubcoreMesh(core_axis_name="c",
                                    subcore_axis_name="s"),
        scratch_types=[
            pltpu.VMEM((_L, _H), jnp.float32),
            pltpu.VMEM((_NBH, _L), jnp.float32),
            pltpu.VMEM((_L, _H), jnp.float32),
        ],
        compiler_params=pltpu.CompilerParams(use_tc_tiling_on_sc=True,
                                             needs_layout_passes=False),
    )


def _tc_sim_kernel(prob1_ref, prob2_ref, sim_ref):
    sim_ref[...] = jax.lax.dot_general(
        prob2_ref[...].astype(jnp.bfloat16),
        prob1_ref[...].astype(jnp.bfloat16),
        (((1,), (1,)), ((), ())),
        preferred_element_type=jnp.float32)


def _tc_loss_kernel(sim_ref, pk_ref, out_ref):
    vals = jnp.concatenate([pk_ref[:, 0:8], pk_ref[:, 128:136]], axis=1)
    idxs = jnp.concatenate([pk_ref[:, 16:24], pk_ref[:, 144:152]], axis=1)
    colf = jax.lax.broadcasted_iota(jnp.int32, (_N, _D), 1).astype(jnp.float32)
    mask = jnp.zeros((_N, _D), jnp.float32)
    for _ in range(_TOPK):
        m = jnp.max(vals, axis=1, keepdims=True)
        sel = jnp.min(jnp.where(vals == m, idxs, _PAD_IDX),
                      axis=1, keepdims=True)
        vals = jnp.where(idxs == sel, -jnp.inf, vals)
        mask = jnp.where(colf == sel, 1.0, mask)

    mask_bf = mask.astype(jnp.bfloat16)
    overlap = jax.lax.dot_general(
        mask_bf, mask_bf, (((1,), (1,)), ((), ())),
        preferred_element_type=jnp.float32)
    target = overlap > (_TOPK - 0.5)

    eps = 1e-12
    sim = sim_ref[...]
    p = jnp.clip(sim, eps, 1.0 - eps)
    q = jnp.where(target, p, 1.0 - p)
    out_ref[0, 0] = -jnp.sum(jnp.log(q)) / (_N * _N)


def kernel(feat1, feat2, prob1, prob2):
    del feat2
    pk = _sc_top5()(feat1)
    sim = pl.pallas_call(
        _tc_sim_kernel,
        out_shape=jax.ShapeDtypeStruct((_N, _N), jnp.float32),
    )(prob1, prob2)
    out = pl.pallas_call(
        _tc_loss_kernel,
        out_shape=jax.ShapeDtypeStruct((1, 1), jnp.float32),
        out_specs=pl.BlockSpec(memory_space=pltpu.SMEM),
    )(sim, pk)
    return out.reshape(())

# --- scband reference (transcript-rebuilt; emitter-appended) ---
"""Pipeline reference for scband-rank-stat-loss-78271484002699 (READ-ONLY COPY).

The authoritative reference and input builder live on the scoring server;
editing this copy changes nothing except your own understanding.
"""

import jax, jax.numpy as jnp
import numpy as np

TOPK = 5
N = 256
D = 256


def pair_enum(x):
    # torch: x1 = x.repeat(n,1).view(-1,D)  -> tile along dim 0
    #        x2 = x.repeat(1,n).view(-1,D)  -> each row repeated n times
    n = x.shape[0]
    x1 = jnp.tile(x, (n, 1))
    x2 = jnp.repeat(x, n, axis=0)
    return x1, x2


def setup_inputs(seed: int = 0) -> dict:
    key = jax.random.key(seed)
    k1, k2, k3, k4 = jax.random.split(key, 4)
    feat1 = jax.random.normal(k1, (N, D), dtype=jnp.float32)
    feat2 = jax.random.normal(k2, (N, D), dtype=jnp.float32)
    # probs must be valid probability rows for BCELoss (pred_sim in [0,1])
    prob1 = jax.nn.softmax(jax.random.normal(k3, (N, D), dtype=jnp.float32), axis=-1)
    prob2 = jax.nn.softmax(jax.random.normal(k4, (N, D), dtype=jnp.float32), axis=-1)
    return {"feat1": feat1, "feat2": feat2, "prob1": prob1, "prob2": prob2}


def reference(feat1, feat2, prob1, prob2):
    topk = TOPK
    rank_feat = jax.lax.stop_gradient(feat1)  # feat1.detach()
    # descending argsort
    rank_idx = jnp.argsort(-rank_feat, axis=1)
    rank_idx1, rank_idx2 = pair_enum(rank_idx)
    rank_idx1 = rank_idx1[:, :topk]
    rank_idx2 = rank_idx2[:, :topk]
    rank_idx1 = jnp.sort(rank_idx1, axis=1)
    rank_idx2 = jnp.sort(rank_idx2, axis=1)
    rank_diff = jnp.sum(jnp.abs(rank_idx1 - rank_idx2), axis=1)
    target = jnp.where(rank_diff > 0, 0.0, 1.0).astype(jnp.float32)
    prob1_expand, _ = pair_enum(prob1)
    _, prob2_expand = pair_enum(prob2)
    pred_sim = jnp.sum(prob1_expand * prob2_expand, axis=1)
    # BCELoss (mean reduction); clamp like torch's internal log clamping
    eps = 1e-12
    p = jnp.clip(pred_sim, eps, 1.0 - eps)
    loss = -jnp.mean(target * jnp.log(p) + (1.0 - target) * jnp.log1p(-p))
    return loss

if __name__ == "__main__":
    import jax
    _d = setup_inputs()
    print(jax.jit(kernel)(*tuple(_d.values())))

</pallas_src>

<mosaic_0001>
#map = affine_map<(d0, d1) -> (0, 0)>
module attributes {stable_mosaic.version = 14 : i64} {
  func.func @_sc_top5_body(%arg0: i32, %arg1: i32, %arg2: memref<256x256xf32, #tpu.memory_space<hbm>>, %arg3: memref<256x256xf32, #tpu.memory_space<hbm>>, %arg4: memref<16x128xf32, #tpu.memory_space<vmem>>, %arg5: memref<8x16xf32, #tpu.memory_space<vmem>>, %arg6: memref<16x128xf32, #tpu.memory_space<vmem>>) attributes {dimension_semantics = [#tpu.dimension_semantics<core_parallel>, #tpu.dimension_semantics<subcore_parallel>], iteration_bounds = array<i64: 2, 16>, scalar_prefetch = 0 : i64, scratch_operands = 3 : i64, tpu.core_type = #tpu.core_type<sc_vector_subcore>, window_params = [{transform_indices = #map}, {transform_indices = #map}]} {
    %mul3A = arith.constant 16 : i32
    %mul3A_0 = arith.muli %arg1, %mul3A : i32
    %mul3A_1 = arith.constant 128 : i32
    %mul3A_2 = arith.muli %arg0, %mul3A_1 : i32
    "tpu.region"() ({
      %run_scoped3A = tpu.sem_alloc : memref<!tpu.dma_semaphore, #tpu.memory_space<semaphore_mem>>
      %dma_start3A = tpu.memref_slice %arg2[%mul3A_0, %mul3A_2] : memref<256x256xf32, #tpu.memory_space<hbm>> -> memref<16x128xf32, #tpu.memory_space<hbm>>
      %dma_start3A_38 = tpu.memref_slice %arg2[%mul3A_0, %mul3A_2] : memref<256x256xf32, #tpu.memory_space<hbm>> -> memref<16x128xf32, #tpu.memory_space<hbm>>
      tpu.enqueue_dma source(%dma_start3A_38 : memref<16x128xf32, #tpu.memory_space<hbm>>) target(%arg4 : memref<16x128xf32, #tpu.memory_space<vmem>>) target_semaphore(%run_scoped3A : memref<!tpu.dma_semaphore, #tpu.memory_space<semaphore_mem>>)
      %dma_wait3A = tpu.memref_slice %arg2[%mul3A_0, %mul3A_2] : memref<256x256xf32, #tpu.memory_space<hbm>> -> memref<16x128xf32, #tpu.memory_space<hbm>>
      %dma_wait3A_39 = tpu.memref_slice %arg2[%mul3A_0, %mul3A_2] : memref<256x256xf32, #tpu.memory_space<hbm>> -> memref<16x128xf32, #tpu.memory_space<hbm>>
      tpu.wait_dma2 semaphore(%run_scoped3A : memref<!tpu.dma_semaphore, #tpu.memory_space<semaphore_mem>>) src(%dma_wait3A_39 : memref<16x128xf32, #tpu.memory_space<hbm>>) dst(%arg4 : memref<16x128xf32, #tpu.memory_space<vmem>>)
      tpu.yield
    }) : () -> ()
    %iota3A = tpu.iota {dimensions = array<i32: 0>} : vector<16xi32>
    %broadcast_in_dim3A = arith.constant 0xFF800000 : f32
    %broadcast_in_dim3A_3 = vector.broadcast %broadcast_in_dim3A : f32 to vector<16xf32>
    %broadcast_in_dim3A_4 = vector.broadcast %mul3A_2 : i32 to vector<16xi32>
    %scan3A = arith.constant 0 : i32
    %scan3A_5 = arith.constant 0 : i32
    %scan3A_6 = arith.constant 8 : i32
    %scan3A_7 = arith.addi %scan3A_5, %scan3A_6 : i32
    %scan3A_8 = arith.constant 1 : i32
    %scan3A_9 = scf.for %scan3A_38 = %scan3A_5 to %scan3A_7 step %scan3A_8 iter_args(%scan3A_39 = %scan3A) -> (i32)  : i32 {
      %mul3A_40 = arith.constant 16 : i32
      %mul3A_41 = arith.muli %scan3A_38, %mul3A_40 : i32
      %add3A = arith.constant 0 : i32
      %add3A_42 = arith.addi %mul3A_41, %add3A : i32
      %broadcast_in_dim3A_43 = vector.broadcast %add3A_42 : i32 to vector<16xi32>
      %gather3A = tpu.vector_load_idx %arg4[%iota3A, %broadcast_in_dim3A_43] : memref<16x128xf32, #tpu.memory_space<vmem>>[vector<16xi32>, vector<16xi32>], vector<16xf32>,
      %mul3A_44 = arith.constant 16 : i32
      %mul3A_45 = arith.muli %scan3A_38, %mul3A_44 : i32
      %add3A_46 = arith.constant 1 : i32
      %add3A_47 = arith.addi %mul3A_45, %add3A_46 : i32
      %broadcast_in_dim3A_48 = vector.broadcast %add3A_47 : i32 to vector<16xi32>
      %gather3A_49 = tpu.vector_load_idx %arg4[%iota3A, %broadcast_in_dim3A_48] : memref<16x128xf32, #tpu.memory_space<vmem>>[vector<16xi32>, vector<16xi32>], vector<16xf32>,
      %mul3A_50 = arith.constant 16 : i32
      %mul3A_51 = arith.muli %scan3A_38, %mul3A_50 : i32
      %add3A_52 = arith.constant 2 : i32
      %add3A_53 = arith.addi %mul3A_51, %add3A_52 : i32
      %broadcast_in_dim3A_54 = vector.broadcast %add3A_53 : i32 to vector<16xi32>
      %gather3A_55 = tpu.vector_load_idx %arg4[%iota3A, %broadcast_in_dim3A_54] : memref<16x128xf32, #tpu.memory_space<vmem>>[vector<16xi32>, vector<16xi32>], vector<16xf32>,
      %mul3A_56 = arith.constant 16 : i32
      %mul3A_57 = arith.muli %scan3A_38, %mul3A_56 : i32
      %add3A_58 = arith.constant 3 : i32
      %add3A_59 = arith.addi %mul3A_57, %add3A_58 : i32
      %broadcast_in_dim3A_60 = vector.broadcast %add3A_59 : i32 to vector<16xi32>
      %gather3A_61 = tpu.vector_load_idx %arg4[%iota3A, %broadcast_in_dim3A_60] : memref<16x128xf32, #tpu.memory_space<vmem>>[vector<16xi32>, vector<16xi32>], vector<16xf32>,
      %mul3A_62 = arith.constant 16 : i32
      %mul3A_63 = arith.muli %scan3A_38, %mul3A_62 : i32
      %add3A_64 = arith.constant 4 : i32
      %add3A_65 = arith.addi %mul3A_63, %add3A_64 : i32
      %broadcast_in_dim3A_66 = vector.broadcast %add3A_65 : i32 to vector<16xi32>
      %gather3A_67 = tpu.vector_load_idx %arg4[%iota3A, %broadcast_in_dim3A_66] : memref<16x128xf32, #tpu.memory_space<vmem>>[vector<16xi32>, vector<16xi32>], vector<16xf32>,
      %mul3A_68 = arith.constant 16 : i32
      %mul3A_69 = arith.muli %scan3A_38, %mul3A_68 : i32
      %add3A_70 = arith.constant 5 : i32
      %add3A_71 = arith.addi %mul3A_69, %add3A_70 : i32
      %broadcast_in_dim3A_72 = vector.broadcast %add3A_71 : i32 to vector<16xi32>
      %gather3A_73 = tpu.vector_load_idx %arg4[%iota3A, %broadcast_in_dim3A_72] : memref<16x128xf32, #tpu.memory_space<vmem>>[vector<16xi32>, vector<16xi32>], vector<16xf32>,
      %mul3A_74 = arith.constant 16 : i32
      %mul3A_75 = arith.muli %scan3A_38, %mul3A_74 : i32
      %add3A_76 = arith.constant 6 : i32
      %add3A_77 = arith.addi %mul3A_75, %add3A_76 : i32
      %broadcast_in_dim3A_78 = vector.broadcast %add3A_77 : i32 to vector<16xi32>
      %gather3A_79 = tpu.vector_load_idx %arg4[%iota3A, %broadcast_in_dim3A_78] : memref<16x128xf32, #tpu.memory_space<vmem>>[vector<16xi32>, vector<16xi32>], vector<16xf32>,
      %mul3A_80 = arith.constant 16 : i32
      %mul3A_81 = arith.muli %scan3A_38, %mul3A_80 : i32
      %add3A_82 = arith.constant 7 : i32
      %add3A_83 = arith.addi %mul3A_81, %add3A_82 : i32
      %broadcast_in_dim3A_84 = vector.broadcast %add3A_83 : i32 to vector<16xi32>
      %gather3A_85 = tpu.vector_load_idx %arg4[%iota3A, %broadcast_in_dim3A_84] : memref<16x128xf32, #tpu.memory_space<vmem>>[vector<16xi32>, vector<16xi32>], vector<16xf32>,
      %mul3A_86 = arith.constant 16 : i32
      %mul3A_87 = arith.muli %scan3A_38, %mul3A_86 : i32
      %add3A_88 = arith.constant 8 : i32
      %add3A_89 = arith.addi %mul3A_87, %add3A_88 : i32
      %broadcast_in_dim3A_90 = vector.broadcast %add3A_89 : i32 to vector<16xi32>
      %gather3A_91 = tpu.vector_load_idx %arg4[%iota3A, %broadcast_in_dim3A_90] : memref<16x128xf32, #tpu.memory_space<vmem>>[vector<16xi32>, vector<16xi32>], vector<16xf32>,
      %mul3A_92 = arith.constant 16 : i32
      %mul3A_93 = arith.muli %scan3A_38, %mul3A_92 : i32
      %add3A_94 = arith.constant 9 : i32
      %add3A_95 = arith.addi %mul3A_93, %add3A_94 : i32
      %broadcast_in_dim3A_96 = vector.broadcast %add3A_95 : i32 to vector<16xi32>
      %gather3A_97 = tpu.vector_load_idx %arg4[%iota3A, %broadcast_in_dim3A_96] : memref<16x128xf32, #tpu.memory_space<vmem>>[vector<16xi32>, vector<16xi32>], vector<16xf32>,
      %mul3A_98 = arith.constant 16 : i32
      %mul3A_99 = arith.muli %scan3A_38, %mul3A_98 : i32
      %add3A_100 = arith.constant 10 : i32
      %add3A_101 = arith.addi %mul3A_99, %add3A_100 : i32
      %broadcast_in_dim3A_102 = vector.broadcast %add3A_101 : i32 to vector<16xi32>
      %gather3A_103 = tpu.vector_load_idx %arg4[%iota3A, %broadcast_in_dim3A_102] : memref<16x128xf32, #tpu.memory_space<vmem>>[vector<16xi32>, vector<16xi32>], vector<16xf32>,
      %mul3A_104 = arith.constant 16 : i32
      %mul3A_105 = arith.muli %scan3A_38, %mul3A_104 : i32
      %add3A_106 = arith.constant 11 : i32
      %add3A_107 = arith.addi %mul3A_105, %add3A_106 : i32
      %broadcast_in_dim3A_108 = vector.broadcast %add3A_107 : i32 to vector<16xi32>
      %gather3A_109 = tpu.vector_load_idx %arg4[%iota3A, %broadcast_in_dim3A_108] : memref<16x128xf32, #tpu.memory_space<vmem>>[vector<16xi32>, vector<16xi32>], vector<16xf32>,
      %mul3A_110 = arith.constant 16 : i32
      %mul3A_111 = arith.muli %scan3A_38, %mul3A_110 : i32
      %add3A_112 = arith.constant 12 : i32
      %add3A_113 = arith.addi %mul3A_111, %add3A_112 : i32
      %broadcast_in_dim3A_114 = vector.broadcast %add3A_113 : i32 to vector<16xi32>
      %gather3A_115 = tpu.vector_load_idx %arg4[%iota3A, %broadcast_in_dim3A_114] : memref<16x128xf32, #tpu.memory_space<vmem>>[vector<16xi32>, vector<16xi32>], vector<16xf32>,
      %mul3A_116 = arith.constant 16 : i32
      %mul3A_117 = arith.muli %scan3A_38, %mul3A_116 : i32
      %add3A_118 = arith.constant 13 : i32
      %add3A_119 = arith.addi %mul3A_117, %add3A_118 : i32
      %broadcast_in_dim3A_120 = vector.broadcast %add3A_119 : i32 to vector<16xi32>
      %gather3A_121 = tpu.vector_load_idx %arg4[%iota3A, %broadcast_in_dim3A_120] : memref<16x128xf32, #tpu.memory_space<vmem>>[vector<16xi32>, vector<16xi32>], vector<16xf32>,
      %mul3A_122 = arith.constant 16 : i32
      %mul3A_123 = arith.muli %scan3A_38, %mul3A_122 : i32
      %add3A_124 = arith.constant 14 : i32
      %add3A_125 = arith.addi %mul3A_123, %add3A_124 : i32
      %broadcast_in_dim3A_126 = vector.broadcast %add3A_125 : i32 to vector<16xi32>
      %gather3A_127 = tpu.vector_load_idx %arg4[%iota3A, %broadcast_in_dim3A_126] : memref<16x128xf32, #tpu.memory_space<vmem>>[vector<16xi32>, vector<16xi32>], vector<16xf32>,
      %mul3A_128 = arith.constant 16 : i32
      %mul3A_129 = arith.muli %scan3A_38, %mul3A_128 : i32
      %add3A_130 = arith.constant 15 : i32
      %add3A_131 = arith.addi %mul3A_129, %add3A_130 : i32
      %broadcast_in_dim3A_132 = vector.broadcast %add3A_131 : i32 to vector<16xi32>
      %gather3A_133 = tpu.vector_load_idx %arg4[%iota3A, %broadcast_in_dim3A_132] : memref<16x128xf32, #tpu.memory_space<vmem>>[vector<16xi32>, vector<16xi32>], vector<16xf32>,
      %max3A = arith.maximumf %gather3A, %gather3A_49 : vector<16xf32>
      %max3A_134 = arith.maximumf %gather3A_55, %gather3A_61 : vector<16xf32>
      %max3A_135 = arith.maximumf %gather3A_67, %gather3A_73 : vector<16xf32>
      %max3A_136 = arith.maximumf %gather3A_79, %gather3A_85 : vector<16xf32>
      %max3A_137 = arith.maximumf %gather3A_91, %gather3A_97 : vector<16xf32>
      %max3A_138 = arith.maximumf %gather3A_103, %gather3A_109 : vector<16xf32>
      %max3A_139 = arith.maximumf %gather3A_115, %gather3A_121 : vector<16xf32>
      %max3A_140 = arith.maximumf %gather3A_127, %gather3A_133 : vector<16xf32>
      %max3A_141 = arith.maximumf %max3A, %max3A_134 : vector<16xf32>
      %max3A_142 = arith.maximumf %max3A_135, %max3A_136 : vector<16xf32>
      %max3A_143 = arith.maximumf %max3A_137, %max3A_138 : vector<16xf32>
      %max3A_144 = arith.maximumf %max3A_139, %max3A_140 : vector<16xf32>
      %max3A_145 = arith.maximumf %max3A_141, %max3A_142 : vector<16xf32>
      %max3A_146 = arith.maximumf %max3A_143, %max3A_144 : vector<16xf32>
      %max3A_147 = arith.maximumf %max3A_145, %max3A_146 : vector<16xf32>
      %broadcast_in_dim3A_148 = vector.broadcast %scan3A_38 : i32 to vector<16xi32>
      tpu.vector_store_idx %arg5[%broadcast_in_dim3A_148, %iota3A], %max3A_147 : memref<8x16xf32, #tpu.memory_space<vmem>>[vector<16xi32>, vector<16xi32>], vector<16xf32>,
      %scan3A_149 = arith.constant 0 : i32
      scf.yield %scan3A_149 : i32
    }
    %scan3A_10 = arith.constant 8 : i32
    %scan3A_11 = arith.constant 0 : i32
    %scan3A_12 = arith.constant 0 : i32
    %scan3A_13 = arith.constant 5 : i32
    %scan3A_14 = arith.addi %scan3A_12, %scan3A_13 : i32
    %scan3A_15 = arith.constant 1 : i32
    %scan3A_16 = scf.for %scan3A_38 = %scan3A_12 to %scan3A_14 step %scan3A_15 iter_args(%scan3A_39 = %scan3A_11) -> (i32)  : i32 {
      %get3A = arith.constant 0 : i32
      %get3A_40 = arith.index_cast %get3A : i32 to index
      %get3A_41 = arith.constant 0 : index
      %get3A_42 = tpu.vector_load %arg5[%get3A_40, %get3A_41] {strides = array<i32>} : memref<8x16xf32, #tpu.memory_space<vmem>>, vector<16xf32>,
      %get3A_43 = arith.constant 1 : i32
      %get3A_44 = arith.index_cast %get3A_43 : i32 to index
      %get3A_45 = arith.constant 0 : index
      %get3A_46 = tpu.vector_load %arg5[%get3A_44, %get3A_45] {strides = array<i32>} : memref<8x16xf32, #tpu.memory_space<vmem>>, vector<16xf32>,
      %get3A_47 = arith.constant 2 : i32
      %get3A_48 = arith.index_cast %get3A_47 : i32 to index
      %get3A_49 = arith.constant 0 : index
      %get3A_50 = tpu.vector_load %arg5[%get3A_48, %get3A_49] {strides = array<i32>} : memref<8x16xf32, #tpu.memory_space<vmem>>, vector<16xf32>,
      %get3A_51 = arith.constant 3 : i32
      %get3A_52 = arith.index_cast %get3A_51 : i32 to index
      %get3A_53 = arith.constant 0 : index
      %get3A_54 = tpu.vector_load %arg5[%get3A_52, %get3A_53] {strides = array<i32>} : memref<8x16xf32, #tpu.memory_space<vmem>>, vector<16xf32>,
      %get3A_55 = arith.constant 4 : i32
      %get3A_56 = arith.index_cast %get3A_55 : i32 to index
      %get3A_57 = arith.constant 0 : index
      %get3A_58 = tpu.vector_load %arg5[%get3A_56, %get3A_57] {strides = array<i32>} : memref<8x16xf32, #tpu.memory_space<vmem>>, vector<16xf32>,
      %get3A_59 = arith.constant 5 : i32
      %get3A_60 = arith.index_cast %get3A_59 : i32 to index
      %get3A_61 = arith.constant 0 : index
      %get3A_62 = tpu.vector_load %arg5[%get3A_60, %get3A_61] {strides = array<i32>} : memref<8x16xf32, #tpu.memory_space<vmem>>, vector<16xf32>,
      %get3A_63 = arith.constant 6 : i32
      %get3A_64 = arith.index_cast %get3A_63 : i32 to index
      %get3A_65 = arith.constant 0 : index
      %get3A_66 = tpu.vector_load %arg5[%get3A_64, %get3A_65] {strides = array<i32>} : memref<8x16xf32, #tpu.memory_space<vmem>>, vector<16xf32>,
      %get3A_67 = arith.constant 7 : i32
      %get3A_68 = arith.index_cast %get3A_67 : i32 to index
      %get3A_69 = arith.constant 0 : index
      %get3A_70 = tpu.vector_load %arg5[%get3A_68, %get3A_69] {strides = array<i32>} : memref<8x16xf32, #tpu.memory_space<vmem>>, vector<16xf32>,
      %max3A = arith.maximumf %get3A_42, %get3A_46 : vector<16xf32>
      %max3A_71 = arith.maximumf %get3A_50, %get3A_54 : vector<16xf32>
      %max3A_72 = arith.maximumf %get3A_58, %get3A_62 : vector<16xf32>
      %max3A_73 = arith.maximumf %get3A_66, %get3A_70 : vector<16xf32>
      %max3A_74 = arith.maximumf %max3A, %max3A_71 : vector<16xf32>
      %max3A_75 = arith.maximumf %max3A_72, %max3A_73 : vector<16xf32>
      %max3A_76 = arith.maximumf %max3A_74, %max3A_75 : vector<16xf32>
      %eq3A = arith.cmpf oeq, %get3A_42, %max3A_76 : vector<16xf32>
      %broadcast_in_dim3A_77 = arith.constant 0 : i32
      %broadcast_in_dim3A_78 = vector.broadcast %broadcast_in_dim3A_77 : i32 to vector<16xi32>
      %broadcast_in_dim3A_79 = arith.constant 8 : i32
      %broadcast_in_dim3A_80 = vector.broadcast %broadcast_in_dim3A_79 : i32 to vector<16xi32>
      %select_n3A = arith.select %eq3A, %broadcast_in_dim3A_78, %broadcast_in_dim3A_80 : vector<16xi1>, vector<16xi32>
      %eq3A_81 = arith.cmpf oeq, %get3A_46, %max3A_76 : vector<16xf32>
      %broadcast_in_dim3A_82 = arith.constant 1 : i32
      %broadcast_in_dim3A_83 = vector.broadcast %broadcast_in_dim3A_82 : i32 to vector<16xi32>
      %broadcast_in_dim3A_84 = arith.constant 8 : i32
      %broadcast_in_dim3A_85 = vector.broadcast %broadcast_in_dim3A_84 : i32 to vector<16xi32>
      %select_n3A_86 = arith.select %eq3A_81, %broadcast_in_dim3A_83, %broadcast_in_dim3A_85 : vector<16xi1>, vector<16xi32>
      %eq3A_87 = arith.cmpf oeq, %get3A_50, %max3A_76 : vector<16xf32>
      %broadcast_in_dim3A_88 = arith.constant 2 : i32
      %broadcast_in_dim3A_89 = vector.broadcast %broadcast_in_dim3A_88 : i32 to vector<16xi32>
      %broadcast_in_dim3A_90 = arith.constant 8 : i32
      %broadcast_in_dim3A_91 = vector.broadcast %broadcast_in_dim3A_90 : i32 to vector<16xi32>
      %select_n3A_92 = arith.select %eq3A_87, %broadcast_in_dim3A_89, %broadcast_in_dim3A_91 : vector<16xi1>, vector<16xi32>
      %eq3A_93 = arith.cmpf oeq, %get3A_54, %max3A_76 : vector<16xf32>
      %broadcast_in_dim3A_94 = arith.constant 3 : i32
      %broadcast_in_dim3A_95 = vector.broadcast %broadcast_in_dim3A_94 : i32 to vector<16xi32>
      %broadcast_in_dim3A_96 = arith.constant 8 : i32
      %broadcast_in_dim3A_97 = vector.broadcast %broadcast_in_dim3A_96 : i32 to vector<16xi32>
      %select_n3A_98 = arith.select %eq3A_93, %broadcast_in_dim3A_95, %broadcast_in_dim3A_97 : vector<16xi1>, vector<16xi32>
      %eq3A_99 = arith.cmpf oeq, %get3A_58, %max3A_76 : vector<16xf32>
      %broadcast_in_dim3A_100 = arith.constant 4 : i32
      %broadcast_in_dim3A_101 = vector.broadcast %broadcast_in_dim3A_100 : i32 to vector<16xi32>
      %broadcast_in_dim3A_102 = arith.constant 8 : i32
      %broadcast_in_dim3A_103 = vector.broadcast %broadcast_in_dim3A_102 : i32 to vector<16xi32>
      %select_n3A_104 = arith.select %eq3A_99, %broadcast_in_dim3A_101, %broadcast_in_dim3A_103 : vector<16xi1>, vector<16xi32>
      %eq3A_105 = arith.cmpf oeq, %get3A_62, %max3A_76 : vector<16xf32>
      %broadcast_in_dim3A_106 = arith.constant 5 : i32
      %broadcast_in_dim3A_107 = vector.broadcast %broadcast_in_dim3A_106 : i32 to vector<16xi32>
      %broadcast_in_dim3A_108 = arith.constant 8 : i32
      %broadcast_in_dim3A_109 = vector.broadcast %broadcast_in_dim3A_108 : i32 to vector<16xi32>
      %select_n3A_110 = arith.select %eq3A_105, %broadcast_in_dim3A_107, %broadcast_in_dim3A_109 : vector<16xi1>, vector<16xi32>
      %eq3A_111 = arith.cmpf oeq, %get3A_66, %max3A_76 : vector<16xf32>
      %broadcast_in_dim3A_112 = arith.constant 6 : i32
      %broadcast_in_dim3A_113 = vector.broadcast %broadcast_in_dim3A_112 : i32 to vector<16xi32>
      %broadcast_in_dim3A_114 = arith.constant 8 : i32
      %broadcast_in_dim3A_115 = vector.broadcast %broadcast_in_dim3A_114 : i32 to vector<16xi32>
      %select_n3A_116 = arith.select %eq3A_111, %broadcast_in_dim3A_113, %broadcast_in_dim3A_115 : vector<16xi1>, vector<16xi32>
      %eq3A_117 = arith.cmpf oeq, %get3A_70, %max3A_76 : vector<16xf32>
      %broadcast_in_dim3A_118 = arith.constant 7 : i32
      %broadcast_in_dim3A_119 = vector.broadcast %broadcast_in_dim3A_118 : i32 to vector<16xi32>
      %broadcast_in_dim3A_120 = arith.constant 8 : i32
      %broadcast_in_dim3A_121 = vector.broadcast %broadcast_in_dim3A_120 : i32 to vector<16xi32>
      %select_n3A_122 = arith.select %eq3A_117, %broadcast_in_dim3A_119, %broadcast_in_dim3A_121 : vector<16xi1>, vector<16xi32>
      %min3A = arith.minsi %select_n3A, %select_n3A_86 : vector<16xi32>
      %min3A_123 = arith.minsi %select_n3A_92, %select_n3A_98 : vector<16xi32>
      %min3A_124 = arith.minsi %select_n3A_104, %select_n3A_110 : vector<16xi32>
      %min3A_125 = arith.minsi %select_n3A_116, %select_n3A_122 : vector<16xi32>
      %min3A_126 = arith.minsi %min3A, %min3A_123 : vector<16xi32>
      %min3A_127 = arith.minsi %min3A_124, %min3A_125 : vector<16xi32>
      %min3A_128 = arith.minsi %min3A_126, %min3A_127 : vector<16xi32>
      %mul3A_129 = arith.constant 16 : i32
      %mul3A_130 = vector.broadcast %mul3A_129 : i32 to vector<16xi32>
      %mul3A_131 = arith.muli %min3A_128, %mul3A_130 : vector<16xi32>
      %add3A = arith.constant 0 : i32
      %add3A_132 = vector.broadcast %add3A : i32 to vector<16xi32>
      %add3A_133 = arith.addi %mul3A_131, %add3A_132 : vector<16xi32>
      %gather3A = tpu.vector_load_idx %arg4[%iota3A, %add3A_133] : memref<16x128xf32, #tpu.memory_space<vmem>>[vector<16xi32>, vector<16xi32>], vector<16xf32>,
      %add3A_134 = arith.constant 1 : i32
      %add3A_135 = vector.broadcast %add3A_134 : i32 to vector<16xi32>
      %add3A_136 = arith.addi %mul3A_131, %add3A_135 : vector<16xi32>
      %gather3A_137 = tpu.vector_load_idx %arg4[%iota3A, %add3A_136] : memref<16x128xf32, #tpu.memory_space<vmem>>[vector<16xi32>, vector<16xi32>], vector<16xf32>,
      %add3A_138 = arith.constant 2 : i32
      %add3A_139 = vector.broadcast %add3A_138 : i32 to vector<16xi32>
      %add3A_140 = arith.addi %mul3A_131, %add3A_139 : vector<16xi32>
      %gather3A_141 = tpu.vector_load_idx %arg4[%iota3A, %add3A_140] : memref<16x128xf32, #tpu.memory_space<vmem>>[vector<16xi32>, vector<16xi32>], vector<16xf32>,
      %add3A_142 = arith.constant 3 : i32
      %add3A_143 = vector.broadcast %add3A_142 : i32 to vector<16xi32>
      %add3A_144 = arith.addi %mul3A_131, %add3A_143 : vector<16xi32>
      %gather3A_145 = tpu.vector_load_idx %arg4[%iota3A, %add3A_144] : memref<16x128xf32, #tpu.memory_space<vmem>>[vector<16xi32>, vector<16xi32>], vector<16xf32>,
      %add3A_146 = arith.constant 4 : i32
      %add3A_147 = vector.broadcast %add3A_146 : i32 to vector<16xi32>
      %add3A_148 = arith.addi %mul3A_131, %add3A_147 : vector<16xi32>
      %gather3A_149 = tpu.vector_load_idx %arg4[%iota3A, %add3A_148] : memref<16x128xf32, #tpu.memory_space<vmem>>[vector<16xi32>, vector<16xi32>], vector<16xf32>,
      %add3A_150 = arith.constant 5 : i32
      %add3A_151 = vector.broadcast %add3A_150 : i32 to vector<16xi32>
      %add3A_152 = arith.addi %mul3A_131, %add3A_151 : vector<16xi32>
      %gather3A_153 = tpu.vector_load_idx %arg4[%iota3A, %add3A_152] : memref<16x128xf32, #tpu.memory_space<vmem>>[vector<16xi32>, vector<16xi32>], vector<16xf32>,
      %add3A_154 = arith.constant 6 : i32
      %add3A_155 = vector.broadcast %add3A_154 : i32 to vector<16xi32>
      %add3A_156 = arith.addi %mul3A_131, %add3A_155 : vector<16xi32>
      %gather3A_157 = tpu.vector_load_idx %arg4[%iota3A, %add3A_156] : memref<16x128xf32, #tpu.memory_space<vmem>>[vector<16xi32>, vector<16xi32>], vector<16xf32>,
      %add3A_158 = arith.constant 7 : i32
      %add3A_159 = vector.broadcast %add3A_158 : i32 to vector<16xi32>
      %add3A_160 = arith.addi %mul3A_131, %add3A_159 : vector<16xi32>
      %gather3A_161 = tpu.vector_load_idx %arg4[%iota3A, %add3A_160] : memref<16x128xf32, #tpu.memory_space<vmem>>[vector<16xi32>, vector<16xi32>], vector<16xf32>,
      %add3A_162 = arith.constant 8 : i32
      %add3A_163 = vector.broadcast %add3A_162 : i32 to vector<16xi32>
      %add3A_164 = arith.addi %mul3A_131, %add3A_163 : vector<16xi32>
      %gather3A_165 = tpu.vector_load_idx %arg4[%iota3A, %add3A_164] : memref<16x128xf32, #tpu.memory_space<vmem>>[vector<16xi32>, vector<16xi32>], vector<16xf32>,
      %add3A_166 = arith.constant 9 : i32
      %add3A_167 = vector.broadcast %add3A_166 : i32 to vector<16xi32>
      %add3A_168 = arith.addi %mul3A_131, %add3A_167 : vector<16xi32>
      %gather3A_169 = tpu.vector_load_idx %arg4[%iota3A, %add3A_168] : memref<16x128xf32, #tpu.memory_space<vmem>>[vector<16xi32>, vector<16xi32>], vector<16xf32>,
      %add3A_170 = arith.constant 10 : i32
      %add3A_171 = vector.broadcast %add3A_170 : i32 to vector<16xi32>
      %add3A_172 = arith.addi %mul3A_131, %add3A_171 : vector<16xi32>
      %gather3A_173 = tpu.vector_load_idx %arg4[%iota3A, %add3A_172] : memref<16x128xf32, #tpu.memory_space<vmem>>[vector<16xi32>, vector<16xi32>], vector<16xf32>,
      %add3A_174 = arith.constant 11 : i32
      %add3A_175 = vector.broadcast %add3A_174 : i32 to vector<16xi32>
      %add3A_176 = arith.addi %mul3A_131, %add3A_175 : vector<16xi32>
      %gather3A_177 = tpu.vector_load_idx %arg4[%iota3A, %add3A_176] : memref<16x128xf32, #tpu.memory_space<vmem>>[vector<16xi32>, vector<16xi32>], vector<16xf32>,
      %add3A_178 = arith.constant 12 : i32
      %add3A_179 = vector.broadcast %add3A_178 : i32 to vector<16xi32>
      %add3A_180 = arith.addi %mul3A_131, %add3A_179 : vector<16xi32>
      %gather3A_181 = tpu.vector_load_idx %arg4[%iota3A, %add3A_180] : memref<16x128xf32, #tpu.memory_space<vmem>>[vector<16xi32>, vector<16xi32>], vector<16xf32>,
      %add3A_182 = arith.constant 13 : i32
      %add3A_183 = vector.broadcast %add3A_182 : i32 to vector<16xi32>
      %add3A_184 = arith.addi %mul3A_131, %add3A_183 : vector<16xi32>
      %gather3A_185 = tpu.vector_load_idx %arg4[%iota3A, %add3A_184] : memref<16x128xf32, #tpu.memory_space<vmem>>[vector<16xi32>, vector<16xi32>], vector<16xf32>,
      %add3A_186 = arith.constant 14 : i32
      %add3A_187 = vector.broadcast %add3A_186 : i32 to vector<16xi32>
      %add3A_188 = arith.addi %mul3A_131, %add3A_187 : vector<16xi32>
      %gather3A_189 = tpu.vector_load_idx %arg4[%iota3A, %add3A_188] : memref<16x128xf32, #tpu.memory_space<vmem>>[vector<16xi32>, vector<16xi32>], vector<16xf32>,
      %add3A_190 = arith.constant 15 : i32
      %add3A_191 = vector.broadcast %add3A_190 : i32 to vector<16xi32>
      %add3A_192 = arith.addi %mul3A_131, %add3A_191 : vector<16xi32>
      %gather3A_193 = tpu.vector_load_idx %arg4[%iota3A, %add3A_192] : memref<16x128xf32, #tpu.memory_space<vmem>>[vector<16xi32>, vector<16xi32>], vector<16xf32>,
      %eq3A_194 = arith.cmpf oeq, %gather3A, %max3A_76 : vector<16xf32>
      %broadcast_in_dim3A_195 = arith.constant 0 : i32
      %broadcast_in_dim3A_196 = vector.broadcast %broadcast_in_dim3A_195 : i32 to vector<16xi32>
      %broadcast_in_dim3A_197 = arith.constant 16 : i32
      %broadcast_in_dim3A_198 = vector.broadcast %broadcast_in_dim3A_197 : i32 to vector<16xi32>
      %select_n3A_199 = arith.select %eq3A_194, %broadcast_in_dim3A_196, %broadcast_in_dim3A_198 : vector<16xi1>, vector<16xi32>
      %eq3A_200 = arith.cmpf oeq, %gather3A_137, %max3A_76 : vector<16xf32>
      %broadcast_in_dim3A_201 = arith.constant 1 : i32
      %broadcast_in_dim3A_202 = vector.broadcast %broadcast_in_dim3A_201 : i32 to vector<16xi32>
      %broadcast_in_dim3A_203 = arith.constant 16 : i32
      %broadcast_in_dim3A_204 = vector.broadcast %broadcast_in_dim3A_203 : i32 to vector<16xi32>
      %select_n3A_205 = arith.select %eq3A_200, %broadcast_in_dim3A_202, %broadcast_in_dim3A_204 : vector<16xi1>, vector<16xi32>
      %eq3A_206 = arith.cmpf oeq, %gather3A_141, %max3A_76 : vector<16xf32>
      %broadcast_in_dim3A_207 = arith.constant 2 : i32
      %broadcast_in_dim3A_208 = vector.broadcast %broadcast_in_dim3A_207 : i32 to vector<16xi32>
      %broadcast_in_dim3A_209 = arith.constant 16 : i32
      %broadcast_in_dim3A_210 = vector.broadcast %broadcast_in_dim3A_209 : i32 to vector<16xi32>
      %select_n3A_211 = arith.select %eq3A_206, %broadcast_in_dim3A_208, %broadcast_in_dim3A_210 : vector<16xi1>, vector<16xi32>
      %eq3A_212 = arith.cmpf oeq, %gather3A_145, %max3A_76 : vector<16xf32>
      %broadcast_in_dim3A_213 = arith.constant 3 : i32
      %broadcast_in_dim3A_214 = vector.broadcast %broadcast_in_dim3A_213 : i32 to vector<16xi32>
      %broadcast_in_dim3A_215 = arith.constant 16 : i32
      %broadcast_in_dim3A_216 = vector.broadcast %broadcast_in_dim3A_215 : i32 to vector<16xi32>
      %select_n3A_217 = arith.select %eq3A_212, %broadcast_in_dim3A_214, %broadcast_in_dim3A_216 : vector<16xi1>, vector<16xi32>
      %eq3A_218 = arith.cmpf oeq, %gather3A_149, %max3A_76 : vector<16xf32>
      %broadcast_in_dim3A_219 = arith.constant 4 : i32
      %broadcast_in_dim3A_220 = vector.broadcast %broadcast_in_dim3A_219 : i32 to vector<16xi32>
      %broadcast_in_dim3A_221 = arith.constant 16 : i32
      %broadcast_in_dim3A_222 = vector.broadcast %broadcast_in_dim3A_221 : i32 to vector<16xi32>
      %select_n3A_223 = arith.select %eq3A_218, %broadcast_in_dim3A_220, %broadcast_in_dim3A_222 : vector<16xi1>, vector<16xi32>
      %eq3A_224 = arith.cmpf oeq, %gather3A_153, %max3A_76 : vector<16xf32>
      %broadcast_in_dim3A_225 = arith.constant 5 : i32
      %broadcast_in_dim3A_226 = vector.broadcast %broadcast_in_dim3A_225 : i32 to vector<16xi32>
      %broadcast_in_dim3A_227 = arith.constant 16 : i32
      %broadcast_in_dim3A_228 = vector.broadcast %broadcast_in_dim3A_227 : i32 to vector<16xi32>
      %select_n3A_229 = arith.select %eq3A_224, %broadcast_in_dim3A_226, %broadcast_in_dim3A_228 : vector<16xi1>, vector<16xi32>
      %eq3A_230 = arith.cmpf oeq, %gather3A_157, %max3A_76 : vector<16xf32>
      %broadcast_in_dim3A_231 = arith.constant 6 : i32
      %broadcast_in_dim3A_232 = vector.broadcast %broadcast_in_dim3A_231 : i32 to vector<16xi32>
      %broadcast_in_dim3A_233 = arith.constant 16 : i32
      %broadcast_in_dim3A_234 = vector.broadcast %broadcast_in_dim3A_233 : i32 to vector<16xi32>
      %select_n3A_235 = arith.select %eq3A_230, %broadcast_in_dim3A_232, %broadcast_in_dim3A_234 : vector<16xi1>, vector<16xi32>
      %eq3A_236 = arith.cmpf oeq, %gather3A_161, %max3A_76 : vector<16xf32>
      %broadcast_in_dim3A_237 = arith.constant 7 : i32
      %broadcast_in_dim3A_238 = vector.broadcast %broadcast_in_dim3A_237 : i32 to vector<16xi32>
      %broadcast_in_dim3A_239 = arith.constant 16 : i32
      %broadcast_in_dim3A_240 = vector.broadcast %broadcast_in_dim3A_239 : i32 to vector<16xi32>
      %select_n3A_241 = arith.select %eq3A_236, %broadcast_in_dim3A_238, %broadcast_in_dim3A_240 : vector<16xi1>, vector<16xi32>
      %eq3A_242 = arith.cmpf oeq, %gather3A_165, %max3A_76 : vector<16xf32>
      %broadcast_in_dim3A_243 = arith.constant 8 : i32
      %broadcast_in_dim3A_244 = vector.broadcast %broadcast_in_dim3A_243 : i32 to vector<16xi32>
      %broadcast_in_dim3A_245 = arith.constant 16 : i32
      %broadcast_in_dim3A_246 = vector.broadcast %broadcast_in_dim3A_245 : i32 to vector<16xi32>
      %select_n3A_247 = arith.select %eq3A_242, %broadcast_in_dim3A_244, %broadcast_in_dim3A_246 : vector<16xi1>, vector<16xi32>
      %eq3A_248 = arith.cmpf oeq, %gather3A_169, %max3A_76 : vector<16xf32>
      %broadcast_in_dim3A_249 = arith.constant 9 : i32
      %broadcast_in_dim3A_250 = vector.broadcast %broadcast_in_dim3A_249 : i32 to vector<16xi32>
      %broadcast_in_dim3A_251 = arith.constant 16 : i32
      %broadcast_in_dim3A_252 = vector.broadcast %broadcast_in_dim3A_251 : i32 to vector<16xi32>
      %select_n3A_253 = arith.select %eq3A_248, %broadcast_in_dim3A_250, %broadcast_in_dim3A_252 : vector<16xi1>, vector<16xi32>
      %eq3A_254 = arith.cmpf oeq, %gather3A_173, %max3A_76 : vector<16xf32>
      %broadcast_in_dim3A_255 = arith.constant 10 : i32
      %broadcast_in_dim3A_256 = vector.broadcast %broadcast_in_dim3A_255 : i32 to vector<16xi32>
      %broadcast_in_dim3A_257 = arith.constant 16 : i32
      %broadcast_in_dim3A_258 = vector.broadcast %broadcast_in_dim3A_257 : i32 to vector<16xi32>
      %select_n3A_259 = arith.select %eq3A_254, %broadcast_in_dim3A_256, %broadcast_in_dim3A_258 : vector<16xi1>, vector<16xi32>
      %eq3A_260 = arith.cmpf oeq, %gather3A_177, %max3A_76 : vector<16xf32>
      %broadcast_in_dim3A_261 = arith.constant 11 : i32
      %broadcast_in_dim3A_262 = vector.broadcast %broadcast_in_dim3A_261 : i32 to vector<16xi32>
      %broadcast_in_dim3A_263 = arith.constant 16 : i32
      %broadcast_in_dim3A_264 = vector.broadcast %broadcast_in_dim3A_263 : i32 to vector<16xi32>
      %select_n3A_265 = arith.select %eq3A_260, %broadcast_in_dim3A_262, %broadcast_in_dim3A_264 : vector<16xi1>, vector<16xi32>
      %eq3A_266 = arith.cmpf oeq, %gather3A_181, %max3A_76 : vector<16xf32>
      %broadcast_in_dim3A_267 = arith.constant 12 : i32
      %broadcast_in_dim3A_268 = vector.broadcast %broadcast_in_dim3A_267 : i32 to vector<16xi32>
      %broadcast_in_dim3A_269 = arith.constant 16 : i32
      %broadcast_in_dim3A_270 = vector.broadcast %broadcast_in_dim3A_269 : i32 to vector<16xi32>
      %select_n3A_271 = arith.select %eq3A_266, %broadcast_in_dim3A_268, %broadcast_in_dim3A_270 : vector<16xi1>, vector<16xi32>
      %eq3A_272 = arith.cmpf oeq, %gather3A_185, %max3A_76 : vector<16xf32>
      %broadcast_in_dim3A_273 = arith.constant 13 : i32
      %broadcast_in_dim3A_274 = vector.broadcast %broadcast_in_dim3A_273 : i32 to vector<16xi32>
      %broadcast_in_dim3A_275 = arith.constant 16 : i32
      %broadcast_in_dim3A_276 = vector.broadcast %broadcast_in_dim3A_275 : i32 to vector<16xi32>
      %select_n3A_277 = arith.select %eq3A_272, %broadcast_in_dim3A_274, %broadcast_in_dim3A_276 : vector<16xi1>, vector<16xi32>
      %eq3A_278 = arith.cmpf oeq, %gather3A_189, %max3A_76 : vector<16xf32>
      %broadcast_in_dim3A_279 = arith.constant 14 : i32
      %broadcast_in_dim3A_280 = vector.broadcast %broadcast_in_dim3A_279 : i32 to vector<16xi32>
      %broadcast_in_dim3A_281 = arith.constant 16 : i32
      %broadcast_in_dim3A_282 = vector.broadcast %broadcast_in_dim3A_281 : i32 to vector<16xi32>
      %select_n3A_283 = arith.select %eq3A_278, %broadcast_in_dim3A_280, %broadcast_in_dim3A_282 : vector<16xi1>, vector<16xi32>
      %eq3A_284 = arith.cmpf oeq, %gather3A_193, %max3A_76 : vector<16xf32>
      %broadcast_in_dim3A_285 = arith.constant 15 : i32
      %broadcast_in_dim3A_286 = vector.broadcast %broadcast_in_dim3A_285 : i32 to vector<16xi32>
      %broadcast_in_dim3A_287 = arith.constant 16 : i32
      %broadcast_in_dim3A_288 = vector.broadcast %broadcast_in_dim3A_287 : i32 to vector<16xi32>
      %select_n3A_289 = arith.select %eq3A_284, %broadcast_in_dim3A_286, %broadcast_in_dim3A_288 : vector<16xi1>, vector<16xi32>
      %min3A_290 = arith.minsi %select_n3A_199, %select_n3A_205 : vector<16xi32>
      %min3A_291 = arith.minsi %select_n3A_211, %select_n3A_217 : vector<16xi32>
      %min3A_292 = arith.minsi %select_n3A_223, %select_n3A_229 : vector<16xi32>
      %min3A_293 = arith.minsi %select_n3A_235, %select_n3A_241 : vector<16xi32>
      %min3A_294 = arith.minsi %select_n3A_247, %select_n3A_253 : vector<16xi32>
      %min3A_295 = arith.minsi %select_n3A_259, %select_n3A_265 : vector<16xi32>
      %min3A_296 = arith.minsi %select_n3A_271, %select_n3A_277 : vector<16xi32>
      %min3A_297 = arith.minsi %select_n3A_283, %select_n3A_289 : vector<16xi32>
      %min3A_298 = arith.minsi %min3A_290, %min3A_291 : vector<16xi32>
      %min3A_299 = arith.minsi %min3A_292, %min3A_293 : vector<16xi32>
      %min3A_300 = arith.minsi %min3A_294, %min3A_295 : vector<16xi32>
      %min3A_301 = arith.minsi %min3A_296, %min3A_297 : vector<16xi32>
      %min3A_302 = arith.minsi %min3A_298, %min3A_299 : vector<16xi32>
      %min3A_303 = arith.minsi %min3A_300, %min3A_301 : vector<16xi32>
      %min3A_304 = arith.minsi %min3A_302, %min3A_303 : vector<16xi32>
      %add3A_305 = arith.addi %mul3A_131, %min3A_304 : vector<16xi32>
      tpu.vector_store_idx %arg4[%iota3A, %add3A_305], %broadcast_in_dim3A_3 : memref<16x128xf32, #tpu.memory_space<vmem>>[vector<16xi32>, vector<16xi32>], vector<16xf32>,
      %eq3A_306 = arith.constant 0 : i32
      %eq3A_307 = vector.broadcast %eq3A_306 : i32 to vector<16xi32>
      %eq3A_308 = arith.cmpi eq, %min3A_304, %eq3A_307 : vector<16xi32>
      %select_n3A_309 = arith.select %eq3A_308, %broadcast_in_dim3A_3, %gather3A : vector<16xi1>, vector<16xf32>
      %eq3A_310 = arith.constant 1 : i32
      %eq3A_311 = vector.broadcast %eq3A_310 : i32 to vector<16xi32>
      %eq3A_312 = arith.cmpi eq, %min3A_304, %eq3A_311 : vector<16xi32>
      %select_n3A_313 = arith.select %eq3A_312, %broadcast_in_dim3A_3, %gather3A_137 : vector<16xi1>, vector<16xf32>
      %eq3A_314 = arith.constant 2 : i32
      %eq3A_315 = vector.broadcast %eq3A_314 : i32 to vector<16xi32>
      %eq3A_316 = arith.cmpi eq, %min3A_304, %eq3A_315 : vector<16xi32>
      %select_n3A_317 = arith.select %eq3A_316, %broadcast_in_dim3A_3, %gather3A_141 : vector<16xi1>, vector<16xf32>
      %eq3A_318 = arith.constant 3 : i32
      %eq3A_319 = vector.broadcast %eq3A_318 : i32 to vector<16xi32>
      %eq3A_320 = arith.cmpi eq, %min3A_304, %eq3A_319 : vector<16xi32>
      %select_n3A_321 = arith.select %eq3A_320, %broadcast_in_dim3A_3, %gather3A_145 : vector<16xi1>, vector<16xf32>
      %eq3A_322 = arith.constant 4 : i32
      %eq3A_323 = vector.broadcast %eq3A_322 : i32 to vector<16xi32>
      %eq3A_324 = arith.cmpi eq, %min3A_304, %eq3A_323 : vector<16xi32>
      %select_n3A_325 = arith.select %eq3A_324, %broadcast_in_dim3A_3, %gather3A_149 : vector<16xi1>, vector<16xf32>
      %eq3A_326 = arith.constant 5 : i32
      %eq3A_327 = vector.broadcast %eq3A_326 : i32 to vector<16xi32>
      %eq3A_328 = arith.cmpi eq, %min3A_304, %eq3A_327 : vector<16xi32>
      %select_n3A_329 = arith.select %eq3A_328, %broadcast_in_dim3A_3, %gather3A_153 : vector<16xi1>, vector<16xf32>
      %eq3A_330 = arith.constant 6 : i32
      %eq3A_331 = vector.broadcast %eq3A_330 : i32 to vector<16xi32>
      %eq3A_332 = arith.cmpi eq, %min3A_304, %eq3A_331 : vector<16xi32>
      %select_n3A_333 = arith.select %eq3A_332, %broadcast_in_dim3A_3, %gather3A_157 : vector<16xi1>, vector<16xf32>
      %eq3A_334 = arith.constant 7 : i32
      %eq3A_335 = vector.broadcast %eq3A_334 : i32 to vector<16xi32>
      %eq3A_336 = arith.cmpi eq, %min3A_304, %eq3A_335 : vector<16xi32>
      %select_n3A_337 = arith.select %eq3A_336, %broadcast_in_dim3A_3, %gather3A_161 : vector<16xi1>, vector<16xf32>
      %eq3A_338 = arith.constant 8 : i32
      %eq3A_339 = vector.broadcast %eq3A_338 : i32 to vector<16xi32>
      %eq3A_340 = arith.cmpi eq, %min3A_304, %eq3A_339 : vector<16xi32>
      %select_n3A_341 = arith.select %eq3A_340, %broadcast_in_dim3A_3, %gather3A_165 : vector<16xi1>, vector<16xf32>
      %eq3A_342 = arith.constant 9 : i32
      %eq3A_343 = vector.broadcast %eq3A_342 : i32 to vector<16xi32>
      %eq3A_344 = arith.cmpi eq, %min3A_304, %eq3A_343 : vector<16xi32>
      %select_n3A_345 = arith.select %eq3A_344, %broadcast_in_dim3A_3, %gather3A_169 : vector<16xi1>, vector<16xf32>
      %eq3A_346 = arith.constant 10 : i32
      %eq3A_347 = vector.broadcast %eq3A_346 : i32 to vector<16xi32>
      %eq3A_348 = arith.cmpi eq, %min3A_304, %eq3A_347 : vector<16xi32>
      %select_n3A_349 = arith.select %eq3A_348, %broadcast_in_dim3A_3, %gather3A_173 : vector<16xi1>, vector<16xf32>
      %eq3A_350 = arith.constant 11 : i32
      %eq3A_351 = vector.broadcast %eq3A_350 : i32 to vector<16xi32>
      %eq3A_352 = arith.cmpi eq, %min3A_304, %eq3A_351 : vector<16xi32>
      %select_n3A_353 = arith.select %eq3A_352, %broadcast_in_dim3A_3, %gather3A_177 : vector<16xi1>, vector<16xf32>
      %eq3A_354 = arith.constant 12 : i32
      %eq3A_355 = vector.broadcast %eq3A_354 : i32 to vector<16xi32>
      %eq3A_356 = arith.cmpi eq, %min3A_304, %eq3A_355 : vector<16xi32>
      %select_n3A_357 = arith.select %eq3A_356, %broadcast_in_dim3A_3, %gather3A_181 : vector<16xi1>, vector<16xf32>
      %eq3A_358 = arith.constant 13 : i32
      %eq3A_359 = vector.broadcast %eq3A_358 : i32 to vector<16xi32>
      %eq3A_360 = arith.cmpi eq, %min3A_304, %eq3A_359 : vector<16xi32>
      %select_n3A_361 = arith.select %eq3A_360, %broadcast_in_dim3A_3, %gather3A_185 : vector<16xi1>, vector<16xf32>
      %eq3A_362 = arith.constant 14 : i32
      %eq3A_363 = vector.broadcast %eq3A_362 : i32 to vector<16xi32>
      %eq3A_364 = arith.cmpi eq, %min3A_304, %eq3A_363 : vector<16xi32>
      %select_n3A_365 = arith.select %eq3A_364, %broadcast_in_dim3A_3, %gather3A_189 : vector<16xi1>, vector<16xf32>
      %eq3A_366 = arith.constant 15 : i32
      %eq3A_367 = vector.broadcast %eq3A_366 : i32 to vector<16xi32>
      %eq3A_368 = arith.cmpi eq, %min3A_304, %eq3A_367 : vector<16xi32>
      %select_n3A_369 = arith.select %eq3A_368, %broadcast_in_dim3A_3, %gather3A_193 : vector<16xi1>, vector<16xf32>
      %max3A_370 = arith.maximumf %select_n3A_309, %select_n3A_313 : vector<16xf32>
      %max3A_371 = arith.maximumf %select_n3A_317, %select_n3A_321 : vector<16xf32>
      %max3A_372 = arith.maximumf %select_n3A_325, %select_n3A_329 : vector<16xf32>
      %max3A_373 = arith.maximumf %select_n3A_333, %select_n3A_337 : vector<16xf32>
      %max3A_374 = arith.maximumf %select_n3A_341, %select_n3A_345 : vector<16xf32>
      %max3A_375 = arith.maximumf %select_n3A_349, %select_n3A_353 : vector<16xf32>
      %max3A_376 = arith.maximumf %select_n3A_357, %select_n3A_361 : vector<16xf32>
      %max3A_377 = arith.maximumf %select_n3A_365, %select_n3A_369 : vector<16xf32>
      %max3A_378 = arith.maximumf %max3A_370, %max3A_371 : vector<16xf32>
      %max3A_379 = arith.maximumf %max3A_372, %max3A_373 : vector<16xf32>
      %max3A_380 = arith.maximumf %max3A_374, %max3A_375 : vector<16xf32>
      %max3A_381 = arith.maximumf %max3A_376, %max3A_377 : vector<16xf32>
      %max3A_382 = arith.maximumf %max3A_378, %max3A_379 : vector<16xf32>
      %max3A_383 = arith.maximumf %max3A_380, %max3A_381 : vector<16xf32>
      %max3A_384 = arith.maximumf %max3A_382, %max3A_383 : vector<16xf32>
      tpu.vector_store_idx %arg5[%min3A_128, %iota3A], %max3A_384 : memref<8x16xf32, #tpu.memory_space<vmem>>[vector<16xi32>, vector<16xi32>], vector<16xf32>,
      %broadcast_in_dim3A_385 = vector.broadcast %scan3A_38 : i32 to vector<16xi32>
      tpu.vector_store_idx %arg6[%iota3A, %broadcast_in_dim3A_385], %max3A_76 : memref<16x128xf32, #tpu.memory_space<vmem>>[vector<16xi32>, vector<16xi32>], vector<16xf32>,
      %add3A_386 = arith.constant 16 : i32
      %add3A_387 = vector.broadcast %add3A_386 : i32 to vector<16xi32>
      %add3A_388 = arith.addi %broadcast_in_dim3A_385, %add3A_387 : vector<16xi32>
      %add3A_389 = arith.addi %add3A_305, %broadcast_in_dim3A_4 : vector<16xi32>
      %convert_element_type3A = arith.sitofp %add3A_389 : vector<16xi32> to vector<16xf32>
      tpu.vector_store_idx %arg6[%iota3A, %add3A_388], %convert_element_type3A : memref<16x128xf32, #tpu.memory_space<vmem>>[vector<16xi32>, vector<16xi32>], vector<16xf32>,
      %scan3A_390 = arith.constant 0 : i32
      scf.yield %scan3A_390 : i32
    }
    %scan3A_17 = arith.constant 5 : i32
    %broadcast_in_dim3A_18 = arith.constant 5 : i32
    %broadcast_in_dim3A_19 = vector.broadcast %broadcast_in_dim3A_18 : i32 to vector<16xi32>
    tpu.vector_store_idx %arg6[%iota3A, %broadcast_in_dim3A_19], %broadcast_in_dim3A_3 : memref<16x128xf32, #tpu.memory_space<vmem>>[vector<16xi32>, vector<16xi32>], vector<16xf32>,
    %broadcast_in_dim3A_20 = arith.constant 21 : i32
    %broadcast_in_dim3A_21 = vector.broadcast %broadcast_in_dim3A_20 : i32 to vector<16xi32>
    %broadcast_in_dim3A_22 = arith.constant 9.999000e+03 : f32
    %broadcast_in_dim3A_23 = vector.broadcast %broadcast_in_dim3A_22 : f32 to vector<16xf32>
    tpu.vector_store_idx %arg6[%iota3A, %broadcast_in_dim3A_21], %broadcast_in_dim3A_23 : memref<16x128xf32, #tpu.memory_space<vmem>>[vector<16xi32>, vector<16xi32>], vector<16xf32>,
    %broadcast_in_dim3A_24 = arith.constant 6 : i32
    %broadcast_in_dim3A_25 = vector.broadcast %broadcast_in_dim3A_24 : i32 to vector<16xi32>
    tpu.vector_store_idx %arg6[%iota3A, %broadcast_in_dim3A_25], %broadcast_in_dim3A_3 : memref<16x128xf32, #tpu.memory_space<vmem>>[vector<16xi32>, vector<16xi32>], vector<16xf32>,
    %broadcast_in_dim3A_26 = arith.constant 22 : i32
    %broadcast_in_dim3A_27 = vector.broadcast %broadcast_in_dim3A_26 : i32 to vector<16xi32>
    %broadcast_in_dim3A_28 = arith.constant 9.999000e+03 : f32
    %broadcast_in_dim3A_29 = vector.broadcast %broadcast_in_dim3A_28 : f32 to vector<16xf32>
    tpu.vector_store_idx %arg6[%iota3A, %broadcast_in_dim3A_27], %broadcast_in_dim3A_29 : memref<16x128xf32, #tpu.memory_space<vmem>>[vector<16xi32>, vector<16xi32>], vector<16xf32>,
    %broadcast_in_dim3A_30 = arith.constant 7 : i32
    %broadcast_in_dim3A_31 = vector.broadcast %broadcast_in_dim3A_30 : i32 to vector<16xi32>
    tpu.vector_store_idx %arg6[%iota3A, %broadcast_in_dim3A_31], %broadcast_in_dim3A_3 : memref<16x128xf32, #tpu.memory_space<vmem>>[vector<16xi32>, vector<16xi32>], vector<16xf32>,
    %broadcast_in_dim3A_32 = arith.constant 23 : i32
    %broadcast_in_dim3A_33 = vector.broadcast %broadcast_in_dim3A_32 : i32 to vector<16xi32>
    %broadcast_in_dim3A_34 = arith.constant 9.999000e+03 : f32
    %broadcast_in_dim3A_35 = vector.broadcast %broadcast_in_dim3A_34 : f32 to vector<16xf32>
    tpu.vector_store_idx %arg6[%iota3A, %broadcast_in_dim3A_33], %broadcast_in_dim3A_35 : memref<16x128xf32, #tpu.memory_space<vmem>>[vector<16xi32>, vector<16xi32>], vector<16xf32>,
    %mul3A_36 = arith.constant 128 : i32
    %mul3A_37 = arith.muli %arg0, %mul3A_36 : i32
    "tpu.region"() ({
      %run_scoped3A = tpu.sem_alloc : memref<!tpu.dma_semaphore, #tpu.memory_space<semaphore_mem>>
      %dma_start3A = tpu.memref_slice %arg3[%mul3A_0, %mul3A_37] : memref<256x256xf32, #tpu.memory_space<hbm>> -> memref<16x128xf32, #tpu.memory_space<hbm>>
      %dma_start3A_38 = tpu.memref_slice %arg3[%mul3A_0, %mul3A_37] : memref<256x256xf32, #tpu.memory_space<hbm>> -> memref<16x128xf32, #tpu.memory_space<hbm>>
      tpu.enqueue_dma source(%arg6 : memref<16x128xf32, #tpu.memory_space<vmem>>) target(%dma_start3A_38 : memref<16x128xf32, #tpu.memory_space<hbm>>) target_semaphore(%run_scoped3A : memref<!tpu.dma_semaphore, #tpu.memory_space<semaphore_mem>>)
      %dma_wait3A = tpu.memref_slice %arg3[%mul3A_0, %mul3A_37] : memref<256x256xf32, #tpu.memory_space<hbm>> -> memref<16x128xf32, #tpu.memory_space<hbm>>
      %dma_wait3A_39 = tpu.memref_slice %arg3[%mul3A_0, %mul3A_37] : memref<256x256xf32, #tpu.memory_space<hbm>> -> memref<16x128xf32, #tpu.memory_space<hbm>>
      tpu.wait_dma2 semaphore(%run_scoped3A : memref<!tpu.dma_semaphore, #tpu.memory_space<semaphore_mem>>) src(%arg6 : memref<16x128xf32, #tpu.memory_space<vmem>>) dst(%dma_wait3A_39 : memref<16x128xf32, #tpu.memory_space<hbm>>)
      tpu.yield
    }) : () -> ()
    return
  }
}

module attributes {stable_mosaic.version = 14 : i64} {
  func.func @_tc_loss_kernel(%arg0: memref<256x256xf32, #tpu.memory_space<vmem>>, %arg1: memref<256x256xf32, #tpu.memory_space<vmem>>, %arg2: memref<1x1xf32, #tpu.memory_space<smem>>) attributes {dimension_semantics = [], scalar_prefetch = 0 : i64, scratch_operands = 0 : i64, tpu.core_type = #tpu.core_type<tc>} {
    %get3A = arith.constant 0 : index
    %get3A_0 = arith.constant 0 : index
    %get3A_1 = vector.load %arg1[%get3A, %get3A_0] : memref<256x256xf32, #tpu.memory_space<vmem>>, vector<256x8xf32>
    %get3A_2 = arith.constant 0 : index
    %get3A_3 = arith.constant 128 : index
    %get3A_4 = vector.load %arg1[%get3A_2, %get3A_3] : memref<256x256xf32, #tpu.memory_space<vmem>>, vector<256x8xf32>
    %concatenate3A = tpu.concatenate %get3A_1, %get3A_4 in 1 : vector<256x8xf32>, vector<256x8xf32> -> vector<256x16xf32>
    %get3A_5 = arith.constant 0 : index
    %get3A_6 = arith.constant 16 : index
    %get3A_7 = vector.load %arg1[%get3A_5, %get3A_6] : memref<256x256xf32, #tpu.memory_space<vmem>>, vector<256x8xf32>
    %get3A_8 = arith.constant 0 : index
    %get3A_9 = arith.constant 144 : index
    %get3A_10 = vector.load %arg1[%get3A_8, %get3A_9] : memref<256x256xf32, #tpu.memory_space<vmem>>, vector<256x8xf32>
    %concatenate3A_11 = tpu.concatenate %get3A_7, %get3A_10 in 1 : vector<256x8xf32>, vector<256x8xf32> -> vector<256x16xf32>
    %iota3A = tpu.iota {dimensions = array<i32: 1>} : vector<256x256xi32>
    %convert_element_type3A = arith.sitofp %iota3A : vector<256x256xi32> to vector<256x256xf32>
    %broadcast_in_dim3A = arith.constant 0.000000e+00 : f32
    %broadcast_in_dim3A_12 = vector.broadcast %broadcast_in_dim3A : f32 to vector<256x256xf32>
    %reduce_max3A = arith.constant dense<0xFF800000> : vector<256xf32>
    %reduce_max3A_13 = vector.multi_reduction <maximumf>, %concatenate3A, %reduce_max3A [1] : vector<256x16xf32> to vector<256xf32>
    %broadcast_in_dim3A_14 = vector.shape_cast %reduce_max3A_13 : vector<256xf32> to vector<256x1xf32>
    %eq3A = vector.broadcast %broadcast_in_dim3A_14 : vector<256x1xf32> to vector<256x16xf32>
    %eq3A_15 = arith.cmpf oeq, %concatenate3A, %eq3A : vector<256x16xf32>
    %jit3A = arith.constant 9.999000e+03 : f32
    %broadcast_in_dim3A_16 = vector.broadcast %jit3A : f32 to vector<256x16xf32>
    %select_n3A = arith.select %eq3A_15, %concatenate3A_11, %broadcast_in_dim3A_16 : vector<256x16xi1>, vector<256x16xf32>
    %reduce_min3A = arith.constant dense<0x7F800000> : vector<256xf32>
    %reduce_min3A_17 = vector.multi_reduction <minimumf>, %select_n3A, %reduce_min3A [1] : vector<256x16xf32> to vector<256xf32>
    %broadcast_in_dim3A_18 = vector.shape_cast %reduce_min3A_17 : vector<256xf32> to vector<256x1xf32>
    %eq3A_19 = vector.broadcast %broadcast_in_dim3A_18 : vector<256x1xf32> to vector<256x16xf32>
    %eq3A_20 = arith.cmpf oeq, %concatenate3A_11, %eq3A_19 : vector<256x16xf32>
    %jit3A_21 = arith.constant 0xFF800000 : f32
    %broadcast_in_dim3A_22 = vector.broadcast %jit3A_21 : f32 to vector<256x16xf32>
    %select_n3A_23 = arith.select %eq3A_20, %broadcast_in_dim3A_22, %concatenate3A : vector<256x16xi1>, vector<256x16xf32>
    %eq3A_24 = vector.broadcast %broadcast_in_dim3A_18 : vector<256x1xf32> to vector<256x256xf32>
    %eq3A_25 = arith.cmpf oeq, %convert_element_type3A, %eq3A_24 : vector<256x256xf32>
    %jit3A_26 = arith.constant 1.000000e+00 : f32
    %broadcast_in_dim3A_27 = vector.broadcast %jit3A_26 : f32 to vector<256x256xf32>
    %select_n3A_28 = arith.select %eq3A_25, %broadcast_in_dim3A_27, %broadcast_in_dim3A_12 : vector<256x256xi1>, vector<256x256xf32>
    %reduce_max3A_29 = arith.constant dense<0xFF800000> : vector<256xf32>
    %reduce_max3A_30 = vector.multi_reduction <maximumf>, %select_n3A_23, %reduce_max3A_29 [1] : vector<256x16xf32> to vector<256xf32>
    %broadcast_in_dim3A_31 = vector.shape_cast %reduce_max3A_30 : vector<256xf32> to vector<256x1xf32>
    %eq3A_32 = vector.broadcast %broadcast_in_dim3A_31 : vector<256x1xf32> to vector<256x16xf32>
    %eq3A_33 = arith.cmpf oeq, %select_n3A_23, %eq3A_32 : vector<256x16xf32>
    %jit3A_34 = arith.constant 9.999000e+03 : f32
    %broadcast_in_dim3A_35 = vector.broadcast %jit3A_34 : f32 to vector<256x16xf32>
    %select_n3A_36 = arith.select %eq3A_33, %concatenate3A_11, %broadcast_in_dim3A_35 : vector<256x16xi1>, vector<256x16xf32>
    %reduce_min3A_37 = arith.constant dense<0x7F800000> : vector<256xf32>
    %reduce_min3A_38 = vector.multi_reduction <minimumf>, %select_n3A_36, %reduce_min3A_37 [1] : vector<256x16xf32> to vector<256xf32>
    %broadcast_in_dim3A_39 = vector.shape_cast %reduce_min3A_38 : vector<256xf32> to vector<256x1xf32>
    %eq3A_40 = vector.broadcast %broadcast_in_dim3A_39 : vector<256x1xf32> to vector<256x16xf32>
    %eq3A_41 = arith.cmpf oeq, %concatenate3A_11, %eq3A_40 : vector<256x16xf32>
    %jit3A_42 = arith.constant 0xFF800000 : f32
    %broadcast_in_dim3A_43 = vector.broadcast %jit3A_42 : f32 to vector<256x16xf32>
    %select_n3A_44 = arith.select %eq3A_41, %broadcast_in_dim3A_43, %select_n3A_23 : vector<256x16xi1>, vector<256x16xf32>
    %eq3A_45 = vector.broadcast %broadcast_in_dim3A_39 : vector<256x1xf32> to vector<256x256xf32>
    %eq3A_46 = arith.cmpf oeq, %convert_element_type3A, %eq3A_45 : vector<256x256xf32>
    %jit3A_47 = arith.constant 1.000000e+00 : f32
    %broadcast_in_dim3A_48 = vector.broadcast %jit3A_47 : f32 to vector<256x256xf32>
    %select_n3A_49 = arith.select %eq3A_46, %broadcast_in_dim3A_48, %select_n3A_28 : vector<256x256xi1>, vector<256x256xf32>
    %reduce_max3A_50 = arith.constant dense<0xFF800000> : vector<256xf32>
    %reduce_max3A_51 = vector.multi_reduction <maximumf>, %select_n3A_44, %reduce_max3A_50 [1] : vector<256x16xf32> to vector<256xf32>
    %broadcast_in_dim3A_52 = vector.shape_cast %reduce_max3A_51 : vector<256xf32> to vector<256x1xf32>
    %eq3A_53 = vector.broadcast %broadcast_in_dim3A_52 : vector<256x1xf32> to vector<256x16xf32>
    %eq3A_54 = arith.cmpf oeq, %select_n3A_44, %eq3A_53 : vector<256x16xf32>
    %jit3A_55 = arith.constant 9.999000e+03 : f32
    %broadcast_in_dim3A_56 = vector.broadcast %jit3A_55 : f32 to vector<256x16xf32>
    %select_n3A_57 = arith.select %eq3A_54, %concatenate3A_11, %broadcast_in_dim3A_56 : vector<256x16xi1>, vector<256x16xf32>
    %reduce_min3A_58 = arith.constant dense<0x7F800000> : vector<256xf32>
    %reduce_min3A_59 = vector.multi_reduction <minimumf>, %select_n3A_57, %reduce_min3A_58 [1] : vector<256x16xf32> to vector<256xf32>
    %broadcast_in_dim3A_60 = vector.shape_cast %reduce_min3A_59 : vector<256xf32> to vector<256x1xf32>
    %eq3A_61 = vector.broadcast %broadcast_in_dim3A_60 : vector<256x1xf32> to vector<256x16xf32>
    %eq3A_62 = arith.cmpf oeq, %concatenate3A_11, %eq3A_61 : vector<256x16xf32>
    %jit3A_63 = arith.constant 0xFF800000 : f32
    %broadcast_in_dim3A_64 = vector.broadcast %jit3A_63 : f32 to vector<256x16xf32>
    %select_n3A_65 = arith.select %eq3A_62, %broadcast_in_dim3A_64, %select_n3A_44 : vector<256x16xi1>, vector<256x16xf32>
    %eq3A_66 = vector.broadcast %broadcast_in_dim3A_60 : vector<256x1xf32> to vector<256x256xf32>
    %eq3A_67 = arith.cmpf oeq, %convert_element_type3A, %eq3A_66 : vector<256x256xf32>
    %jit3A_68 = arith.constant 1.000000e+00 : f32
    %broadcast_in_dim3A_69 = vector.broadcast %jit3A_68 : f32 to vector<256x256xf32>
    %select_n3A_70 = arith.select %eq3A_67, %broadcast_in_dim3A_69, %select_n3A_49 : vector<256x256xi1>, vector<256x256xf32>
    %reduce_max3A_71 = arith.constant dense<0xFF800000> : vector<256xf32>
    %reduce_max3A_72 = vector.multi_reduction <maximumf>, %select_n3A_65, %reduce_max3A_71 [1] : vector<256x16xf32> to vector<256xf32>
    %broadcast_in_dim3A_73 = vector.shape_cast %reduce_max3A_72 : vector<256xf32> to vector<256x1xf32>
    %eq3A_74 = vector.broadcast %broadcast_in_dim3A_73 : vector<256x1xf32> to vector<256x16xf32>
    %eq3A_75 = arith.cmpf oeq, %select_n3A_65, %eq3A_74 : vector<256x16xf32>
    %jit3A_76 = arith.constant 9.999000e+03 : f32
    %broadcast_in_dim3A_77 = vector.broadcast %jit3A_76 : f32 to vector<256x16xf32>
    %select_n3A_78 = arith.select %eq3A_75, %concatenate3A_11, %broadcast_in_dim3A_77 : vector<256x16xi1>, vector<256x16xf32>
    %reduce_min3A_79 = arith.constant dense<0x7F800000> : vector<256xf32>
    %reduce_min3A_80 = vector.multi_reduction <minimumf>, %select_n3A_78, %reduce_min3A_79 [1] : vector<256x16xf32> to vector<256xf32>
    %broadcast_in_dim3A_81 = vector.shape_cast %reduce_min3A_80 : vector<256xf32> to vector<256x1xf32>
    %eq3A_82 = vector.broadcast %broadcast_in_dim3A_81 : vector<256x1xf32> to vector<256x16xf32>
    %eq3A_83 = arith.cmpf oeq, %concatenate3A_11, %eq3A_82 : vector<256x16xf32>
    %jit3A_84 = arith.constant 0xFF800000 : f32
    %broadcast_in_dim3A_85 = vector.broadcast %jit3A_84 : f32 to vector<256x16xf32>
    %select_n3A_86 = arith.select %eq3A_83, %broadcast_in_dim3A_85, %select_n3A_65 : vector<256x16xi1>, vector<256x16xf32>
    %eq3A_87 = vector.broadcast %broadcast_in_dim3A_81 : vector<256x1xf32> to vector<256x256xf32>
    %eq3A_88 = arith.cmpf oeq, %convert_element_type3A, %eq3A_87 : vector<256x256xf32>
    %jit3A_89 = arith.constant 1.000000e+00 : f32
    %broadcast_in_dim3A_90 = vector.broadcast %jit3A_89 : f32 to vector<256x256xf32>
    %select_n3A_91 = arith.select %eq3A_88, %broadcast_in_dim3A_90, %select_n3A_70 : vector<256x256xi1>, vector<256x256xf32>
    %reduce_max3A_92 = arith.constant dense<0xFF800000> : vector<256xf32>
    %reduce_max3A_93 = vector.multi_reduction <maximumf>, %select_n3A_86, %reduce_max3A_92 [1] : vector<256x16xf32> to vector<256xf32>
    %broadcast_in_dim3A_94 = vector.shape_cast %reduce_max3A_93 : vector<256xf32> to vector<256x1xf32>
    %eq3A_95 = vector.broadcast %broadcast_in_dim3A_94 : vector<256x1xf32> to vector<256x16xf32>
    %eq3A_96 = arith.cmpf oeq, %select_n3A_86, %eq3A_95 : vector<256x16xf32>
    %jit3A_97 = arith.constant 9.999000e+03 : f32
    %broadcast_in_dim3A_98 = vector.broadcast %jit3A_97 : f32 to vector<256x16xf32>
    %select_n3A_99 = arith.select %eq3A_96, %concatenate3A_11, %broadcast_in_dim3A_98 : vector<256x16xi1>, vector<256x16xf32>
    %reduce_min3A_100 = arith.constant dense<0x7F800000> : vector<256xf32>
    %reduce_min3A_101 = vector.multi_reduction <minimumf>, %select_n3A_99, %reduce_min3A_100 [1] : vector<256x16xf32> to vector<256xf32>
    %broadcast_in_dim3A_102 = vector.shape_cast %reduce_min3A_101 : vector<256xf32> to vector<256x1xf32>
    %eq3A_103 = vector.broadcast %broadcast_in_dim3A_102 : vector<256x1xf32> to vector<256x256xf32>
    %eq3A_104 = arith.cmpf oeq, %convert_element_type3A, %eq3A_103 : vector<256x256xf32>
    %jit3A_105 = arith.constant 1.000000e+00 : f32
    %broadcast_in_dim3A_106 = vector.broadcast %jit3A_105 : f32 to vector<256x256xf32>
    %select_n3A_107 = arith.select %eq3A_104, %broadcast_in_dim3A_106, %select_n3A_91 : vector<256x256xi1>, vector<256x256xf32>
    %convert_element_type3A_108 = arith.truncf %select_n3A_107 : vector<256x256xf32> to vector<256x256xbf16>
    %dot_general3A = arith.constant dense<0.000000e+00> : vector<256x256xf32>
    %dot_general3A_109 = tpu.matmul %convert_element_type3A_108, %convert_element_type3A_108, %dot_general3A {dimension_numbers = #tpu.dot_dimension_numbers<[1], [1], [0], [0], [0, 0, 1, 0], [], []>, transpose_lhs_hint = false} : vector<256x256xbf16>, vector<256x256xbf16>, vector<256x256xf32> -> vector<256x256xf32>
    %gt3A = arith.constant 4.500000e+00 : f32
    %gt3A_110 = vector.broadcast %gt3A : f32 to vector<256x256xf32>
    %gt3A_111 = arith.cmpf ogt, %dot_general3A_109, %gt3A_110 : vector<256x256xf32>
    %get3A_112 = arith.constant 0 : index
    %get3A_113 = arith.constant 0 : index
    %get3A_114 = vector.load %arg0[%get3A_112, %get3A_113] : memref<256x256xf32, #tpu.memory_space<vmem>>, vector<256x256xf32>
    %jit3A_115 = arith.constant 9.99999996E-13 : f32
    %jit3A_116 = arith.constant 1.000000e+00 : f32
    %max3A = vector.broadcast %jit3A_115 : f32 to vector<256x256xf32>
    %max3A_117 = arith.maximumf %max3A, %get3A_114 : vector<256x256xf32>
    %min3A = vector.broadcast %jit3A_116 : f32 to vector<256x256xf32>
    %min3A_118 = arith.minimumf %min3A, %max3A_117 : vector<256x256xf32>
    %sub3A = arith.constant 1.000000e+00 : f32
    %sub3A_119 = vector.broadcast %sub3A : f32 to vector<256x256xf32>
    %sub3A_120 = arith.subf %sub3A_119, %min3A_118 : vector<256x256xf32>
    %select_n3A_121 = arith.select %gt3A_111, %min3A_118, %sub3A_120 : vector<256x256xi1>, vector<256x256xf32>
    %log3A = math.log %select_n3A_121 : vector<256x256xf32>
    %reduce_sum3A = vector.shape_cast %log3A : vector<256x256xf32> to vector<1x256x256xf32>
    %reduce_sum3A_122 = arith.constant dense<0.000000e+00> : vector<1xf32>
    %reduce_sum3A_123 = vector.multi_reduction <add>, %reduce_sum3A, %reduce_sum3A_122 [1, 2] : vector<1x256x256xf32> to vector<1xf32>
    %reduce_sum3A_124 = vector.shape_cast %reduce_sum3A_123 : vector<1xf32> to vector<1x1x1xf32>
    %reduce_sum3A_125 = vector.extract %reduce_sum3A_124[0, 0, 0] : f32 from vector<1x1x1xf32>
    %neg3A = arith.constant 0.000000e+00 : f32
    %neg3A_126 = arith.subf %neg3A, %reduce_sum3A_125 : f32
    %div3A = arith.constant 6.553600e+04 : f32
    %div3A_127 = arith.divf %neg3A_126, %div3A : f32
    %swap3A = arith.constant 0 : index
    %swap3A_128 = arith.constant 0 : index
    %swap3A_129 = memref.load %arg2[%swap3A, %swap3A_128] : memref<1x1xf32, #tpu.memory_space<smem>>
    memref.store %div3A_127, %arg2[%swap3A, %swap3A_128] : memref<1x1xf32, #tpu.memory_space<smem>>
    return
  }
}

module attributes {stable_mosaic.version = 14 : i64} {
  func.func @_tc_sim_kernel(%arg0: memref<256x256xf32, #tpu.memory_space<vmem>>, %arg1: memref<256x256xf32, #tpu.memory_space<vmem>>, %arg2: memref<256x256xf32, #tpu.memory_space<vmem>>) attributes {dimension_semantics = [], scalar_prefetch = 0 : i64, scratch_operands = 0 : i64, tpu.core_type = #tpu.core_type<tc>} {
    %get3A = arith.constant 0 : index
    %get3A_0 = arith.constant 0 : index
    %get3A_1 = vector.load %arg1[%get3A, %get3A_0] : memref<256x256xf32, #tpu.memory_space<vmem>>, vector<256x256xf32>
    %convert_element_type3A = arith.truncf %get3A_1 : vector<256x256xf32> to vector<256x256xbf16>
    %get3A_2 = arith.constant 0 : index
    %get3A_3 = arith.constant 0 : index
    %get3A_4 = vector.load %arg0[%get3A_2, %get3A_3] : memref<256x256xf32, #tpu.memory_space<vmem>>, vector<256x256xf32>
    %convert_element_type3A_5 = arith.truncf %get3A_4 : vector<256x256xf32> to vector<256x256xbf16>
    %dot_general3A = arith.constant dense<0.000000e+00> : vector<256x256xf32>
    %dot_general3A_6 = tpu.matmul %convert_element_type3A, %convert_element_type3A_5, %dot_general3A {dimension_numbers = #tpu.dot_dimension_numbers<[1], [1], [0], [0], [0, 0, 1, 0], [], []>, transpose_lhs_hint = false} : vector<256x256xbf16>, vector<256x256xbf16>, vector<256x256xf32> -> vector<256x256xf32>
    %swap3A = arith.constant 0 : index
    %swap3A_7 = arith.constant 0 : index
    %swap3A_8 = vector.load %arg2[%swap3A, %swap3A_7] : memref<256x256xf32, #tpu.memory_space<vmem>>, vector<256x256xf32>
    tpu.vector_store %arg2[%swap3A, %swap3A_7], %dot_general3A_6 {strides = array<i32>} : memref<256x256xf32, #tpu.memory_space<vmem>>, vector<256x256xf32>,
    return
  }
}

</mosaic_0001>

<sc_bundles>
// kernel: kernel.5.cloned.1.call-start
scs
__scs_entry_jumppad:
0x0: {  	(pc) =	sbr.rel $0x88, $3  }
0x1: {  	(tag) =	ssettag $0x0;
	lr =	simm.s32 $0x1  }
0x2: {  	[smem:$0x3F9E] =	sst lr;
	_ =	strace $0xD0000000  }
0x3: {  	_ = 	snop  }
0x4: {  	_ = 	snop  }
0x5: {  	_ = 	snop  }
0x6: {  	_ = 	snop  }
0x7: {  	_ = 	snop  }
__scs_overlays_trampoline_lowered:
0x8: {  	[smem:$0x3FAD] =	sst s0  }
0x9: {  	[smem:$0x3FAE] =	sst s1  }
0xa: {  	[smem:$0x3FAF] =	sst s2  }
0xb: {  	[smem:$0x3FB0] =	sst s3  }
0xc: {  	[smem:$0x3FB1] =	sst s4  }
0xd: {  	[smem:$0x3FB2] =	sst s5  }
0xe: {  	[smem:$0x3FB3] =	sst s6  }
0xf: {  	[smem:$0x3FB4] =	sst s7  }
0x10: {  	[smem:$0x3FB5] =	sst s8  }
0x11: {  	[smem:$0x3FB6] =	sst s9;
	s0 =	simm.s32 @!p0 $0x0  }
0x12: {  	s1 =	sld [smem:$0x3F9C];
	s0 =	simm.s32 @p0 $0x1  }
0x13: {  	[smem:$0x3FB7] =	sst s0;
	s0 =	simm.s32 @!p1 $0x0  }
0x14: {  	s2 =	sld [smem:$0x3F9B];
	s0 =	simm.s32 @p1 $0x1  }
0x15: {  	[smem:$0x3FB8] =	sst s0;
	s0 =	simm.s32 @!p2 $0x0  }
0x16: {  	s3 =	sld [smem:$0x3FDB];
	s0 =	simm.s32 @p2 $0x1  }
0x17: {  	s4 =	simm.s32 $0x1BF5;
	[smem:$0x3FBA] =	sst s0  }
0x18: {  	s0 =	sld [smem:$0x3F9D];
	_ =	swait.ge [sflag:s4], $0x0  }
0x19: {  	s7 =	sld [smem:$0x3F9E]  }
0x1a: {  	s8 =	sadd.s32 $0xFFFFE003, lr  }
0x1b: {  	s9 =	sadd.s32 $0xFFFFFEF7, lr;
	s5 =	simm.s32 $0xFFFFFFFF;
	p2 =	slt.u32 s8, $0xFFFFF086  }
0x1c: {  	p1 =	slt.u32 s9, $0xF7A;
	s5 =	simm.s32 @!p2 $0x0  }
0x1d: {  	s5 =	simm.s32 @p1 $0x1;
	p0 =	seq.s32 s7, s2  }
0x1e: {  	s7 =	smul.u32 @!p0 $0xF7A, s2;
	p2 =	seq.s32 @!p0 s5, $0x0  }
0x1f: {  	s9 =	smul.u32 $0xF7A, s1;
	s8 =	simm.s32 @!p0 $0x1BF5;
	p2 =	por !p2, p0  }
0x20: {  	[sflag:s8] =	ssyncset.s32 @!p0 $0xFFFFF086;
	s6 =	sadd.s32 @!p0 s3, s7;
	s7 =	simm.s32 @!p0 $0x108  }
0x21: {  	s3 =	sadd.s32 s3, s9;
	s6 =	sadd.s32 @!p0 $0x88, s6;
	s7 =	simm.s32 @p2 $0x1082  }
0x22: {  	[simem:s7], [sflag:s8] =	dma.local @!p0 [hbm:s6], $0xF7A  }
0x23: {  	s9 =	sor.u32 $0xD0000000, s2;
	s6 =	simm.s32 $0x108;
	_ =	swait.ge @!p0 [sflag:s8], $0x0  }
0x24: {  	s3 =	sadd.s32 $0x88, s3;
	s6 =	simm.s32 @!p1 $0x1082;
	[sflag:s4] =	ssyncset.s32 $0xFFFFF086  }
0x25: {  	[simem:s6], [sflag:s4] =	dma.local [hbm:s3], $0xF7A  }
0x26: {  	[smem:$0x3F9E] =	sst s1;
	(tag) =	ssettag s2;
	_ =	strace s9  }
0x27: {  	s1 =	sld [smem:$0x3FAE]  }
0x28: {  	s2 =	sld [smem:$0x3FAF]  }
0x29: {  	s4 =	sld [smem:$0x3FB1]  }
0x2a: {  	p0 =	seq.s32 s5, $0x0;
	s5 =	sld [smem:$0x3FB2]  }
0x2b: {  	s6 =	sld [smem:$0x3FB3]  }
0x2c: {  	s7 =	sld [smem:$0x3FB4]  }
0x2d: {  	s3 =	simm.s32 $0x108;
	s8 =	sld [smem:$0x3FB5]  }
0x2e: {  	s3 =	simm.s32 @!p0 $0x1082;
	s9 =	sld [smem:$0x3FB6]  }
0x2f: {  	lr =	sadd.s32 s0, s3;
	s0 =	sld [smem:$0x3FAD]  }
0x30: {  	s3 =	sld [smem:$0x3FB0]  }
0x31: {  	[smem:$0x3FB9] =	sst s10  }
0x32: {  	s10 =	sld [smem:$0x3FB7];
	_ =	sdelay $0x3  }
0x33: {  	p0 =	seq.s32 s10, $0x1;
	s10 =	sld [smem:$0x3FB9];
	_ =	sdelay $0x3  }
0x34: {  	[smem:$0x3FB9] =	sst s10  }
0x35: {  	s10 =	sld [smem:$0x3FB8];
	_ =	sdelay $0x3  }
0x36: {  	p1 =	seq.s32 s10, $0x1;
	s10 =	sld [smem:$0x3FB9];
	_ =	sdelay $0x3  }
0x37: {  	[smem:$0x3FB9] =	sst s10  }
0x38: {  	s10 =	sld [smem:$0x3FBA]  }
0x39: {  	_ = 	snop;
	(pc) =	sbr.ind lr, $3  }
0x3a: {  	_ = 	snop  }
0x3b: {  	_ = 	snop  }
0x3c: {  	p2 =	seq.s32 s10, $0x1;
	s10 =	sld [smem:$0x3FB9]  }
0x3d: {  	_ =	shalt  }
0x3e: {  	_ =	shalt  }
0x3f: {  	_ =	shalt  }
0x40: {  	_ =	shalt  }
0x41: {  	_ =	shalt  }
0x42: {  	_ =	shalt  }
0x43: {  	_ =	shalt  }
0x44: {  	_ =	shalt  }
0x45: {  	_ =	shalt  }
0x46: {  	_ =	shalt  }
0x47: {  	_ =	shalt  }
0x48: {  	_ =	shalt  }
0x49: {  	_ =	shalt  }
0x4a: {  	_ =	shalt  }
0x4b: {  	_ =	shalt  }
0x4c: {  	_ =	shalt  }
0x4d: {  	_ =	shalt  }
0x4e: {  	_ =	shalt  }
0x4f: {  	_ =	shalt  }
0x50: {  	_ =	shalt  }
0x51: {  	_ =	shalt  }
0x52: {  	_ =	shalt  }
0x53: {  	_ =	shalt  }
0x54: {  	_ =	shalt  }
0x55: {  	_ =	shalt  }
0x56: {  	_ =	shalt  }
0x57: {  	_ =	shalt  }
0x58: {  	_ =	shalt  }
0x59: {  	_ =	shalt  }
0x5a: {  	_ =	shalt  }
0x5b: {  	_ =	shalt  }
0x5c: {  	_ =	shalt  }
0x5d: {  	_ =	shalt  }
0x5e: {  	_ =	shalt  }
0x5f: {  	_ =	shalt  }
0x60: {  	_ =	shalt  }
0x61: {  	_ =	shalt  }
0x62: {  	_ =	shalt  }
0x63: {  	_ =	shalt  }
0x64: {  	_ =	shalt  }
0x65: {  	_ =	shalt  }
0x66: {  	_ =	shalt  }
0x67: {  	_ =	shalt  }
0x68: {  	_ =	shalt  }
0x69: {  	_ =	shalt  }
0x6a: {  	_ =	shalt  }
0x6b: {  	_ =	shalt  }
0x6c: {  	_ =	shalt  }
0x6d: {  	_ =	shalt  }
0x6e: {  	_ =	shalt  }
0x6f: {  	_ =	shalt  }
0x70: {  	_ =	shalt  }
0x71: {  	_ =	shalt  }
0x72: {  	_ =	shalt  }
0x73: {  	_ =	shalt  }
0x74: {  	_ =	shalt  }
0x75: {  	_ =	shalt  }
0x76: {  	_ =	shalt  }
0x77: {  	_ =	shalt  }
0x78: {  	_ =	shalt  }
0x79: {  	_ =	shalt  }
0x7a: {  	_ =	shalt  }
0x7b: {  	_ =	shalt  }
0x7c: {  	_ =	shalt  }
0x7d: {  	_ =	shalt  }
0x7e: {  	_ =	shalt  }
0x7f: {  	_ =	shalt  }
0x80: {  	_ =	shalt  }
0x81: {  	_ =	shalt  }
0x82: {  	_ =	shalt  }
0x83: {  	_ =	shalt  }
0x84: {  	_ =	shalt  }
0x85: {  	_ =	shalt  }
0x86: {  	_ =	shalt  }
0x87: {  	_ =	shalt  }
.Lfunc_end0:
.L_simem_size_0:
called_computation_lowered:
.L_overlay_start_0:
0x88: {  	s2 =	sld [smem:$0x3FD9]  }
0x89: {  	s3 =	sld [smem:$0x3FFE];
	_ =	sdelay $0x1  }
0x8a: {  	s1 =	srdreg.scid  }
0x8b: {  	s0 =	sand.u32 $0x1, s1  }
0x8c: {  	s17 =	sshll.u32 s0, $0xA;
	s2 =	sadd.s32 s3, s2  }
0x8d: {  	s2 =	sadd.s32 s2, s17  }
0x8e: {  	[smem:$0x3FC5] =	sst s2  }
0x8f: {  	_ = 	snop  }
0x90: {  	s2 =	sld [smem:$0x3FC9];
	(tm) =	ssettm $0x1  }
0x91: {  	s18 =	sld [smem:$0x3FFB];
	_ =	sdelay $0x3  }
0x92: {  	_ =	strace s18  }
0x93: {  	s3 =	sld [smem:$0x3FFC];
	_ =	sdelay $0x3  }
0x94: {  	_ =	strace s3  }
0x95: {  	s3 =	sld [smem:$0x3FFD];
	_ =	sdelay $0x3  }
0x96: {  	_ =	strace s3  }
0x97: {  	_ =	strace $0x8FFFFFFF  }
0x98: {  	s19 =	sld [smem:$0x3FDB];
	_ =	sdelay $0x1  }
0x99: {  	s4 =	simm.s32 $_scs_section_size  }
0x9a: {  	s5 =	simm.s32 $_size__tile_overlayer_lowered;
	s6 =	simm.s32 $_tile_overlayer_lowered  }
0x9b: {  	s22 =	simm.s32 $0x1BFF;
	s21 =	sshll.u32 s6, $0x1;
	s3 =	sadd.s32 s4, s19  }
0x9c: {  	s7 =	simm.s32 $0x0;
	s20 =	sshll.u32 s5, $0x1;
	s5 =	sadd.s32 s21, s3  }
0x9d: {  	[timem:s7], [sflag:s22] =	dma.local [hbm:s5], s20  }
0x9e: {  	_ =	swait.ge [sflag:s22], s20  }
0x9f: {  	s4 =	ssub.s32 $0x0, s20;
	[sflag:s22] =	ssyncset.done $0x0  }
0xa0: {  	[sflag:s22] =	ssyncadd.s32 s4;
	_ =	sdelay $0x1  }
0xa1: {  	s23 =	simm.s32 $0x1B8B  }
0xa2: {  	_ =	swait.ge [sflag:s23], $0x1  }
0xa3: {  	[sflag:s23] =	ssyncset.done $0x0  }
0xa4: {  	s25 =	simm.s32 $0x1B8E;
	s24 =	sld [smem:$0x3FFE];
	[sflag:s23] =	ssyncadd.s32 $0xFFFFFFFF  }
0xa5: {  	s26 =	simm.s32 $execute0_lowered;
	[smem:$0x3FD2] =	sst s25  }
0xa6: {  	s5 =	sshll.u32 s26, $0x1;
	_ =	strace $0x80000046;
	[dreg:$0x1] =	wrdreg $0xFFFFFFFF  }
0xa7: {  	s28 =	simm.s32 $_size_execute0_lowered;
	s3 =	sadd.s32 s3, s5;
	[dreg:$0x0] =	wrdreg $0x0  }
0xa8: {  	s5 =	sshll.u32 s28, $0x1;
	[dreg:$0x2] =	wrdreg s3  }
0xa9: {  	[dreg:$0x3] =	wrdreg s5  }
0xaa: {  	[dreg:$0x4] =	wrdreg $0xC0  }
0xab: {  	_ =	task [dreg:s7], $0x5FFFF  }
0xac: {  	[dreg:$0x1] =	wrdreg $0xFFFFFFFF  }
0xad: {  	[dreg:$0x0] =	wrdreg $0x60  }
0xae: {  	[dreg:$0x2] =	wrdreg s2  }
0xaf: {  	[dreg:$0x3] =	wrdreg s24  }
0xb0: {  	[dreg:$0x4] =	wrdreg $0x9  }
0xb1: {  	_ =	task.clear_ibuf [dreg:s7], $0x5FFFF;
	_ =	strace $0x90000046  }
0xb2: {  	s29 =	simm.s32 $0x9;
	_ =	strace $0x80000048  }
0xb3: {  	_ =	swait.ge [sflag:s29], $0x1  }
0xb4: {  	[sflag:s29] =	ssyncadd.s32 $0xFFFFFFFF  }
0xb5: {  	_ =	strace $0x90000048  }
0xb6: {  	_ =	sfence  }
0xb7: {  	s30 =	sld [smem:$0x0];
	_ =	sdelay $0x2  }
0xb8: {  	s31 =	sshll.u32 s1, $0xD;
	s1 =	sshrl.u32 s1, $0x2  }
0xb9: {  	s3 =	sand.u32 $0x4000, s31;
	s1 =	sadd.s32 s1, s30  }
0xba: {  	s0 =	sor.u32 s3, s0;
	s1 =	sshll.u32 s1, $0x11  }
0xbb: {  	s0 =	sor.u32 s1, s0  }
0xbc: {  	s0 =	sadd.s32 $0x8F2B, s0  }
0xbd: {  	[sflag:s0] =	ssyncadd.remote.s32 $0x1  }
0xbe: {  	_ =	sfence.sel $0xFFFF  }
0xbf: {  	[dreg:$0x0] =	wrdreg $0xFFFFFFFF;
	(pc) =	sbr.abs _section_cstart, $3  }
0xc0: {  	[dreg:$0x1] =	wrdreg $0xFFFFFFFF  }
0xc1: {  	_ =	task.clear_ibuf [dreg:s7], $0x2FFFF;
	_ =	strace $0x9FFFFFFF  }
0xc2: {  	(tm) =	ssettm $0x7FFFFFFF  }
0xc3: {  	_ =	shalt  }
tec
execute0_lowered:
.L_overlay_start_1:
0x0: {  	(tag) =	ssettag $0x1  }
0x1: {  	s3 =	rddreg [dreg:$0x0]  }
0x2: {  	s0 =	srdreg.scid;
	s5 =	rddreg [dreg:$0x1]  }
0x3: {  	v0 =	vlaneseq.u32;
	s1 =	rddreg [dreg:$0x2];
	s2 =	simm.s32 $0x0;
	s4 =	sand.u32 $0x1, s0  }
0x4: {  	v3 =	vimm.s32 $0x8;
	v12 =	vimm.s32 $0x10;
	s8 =	simm.s32 $0x1;
	s0 =	stileid.u32;
	v1 =	vmul.u32 $0x80, v0;
	s6 =	sshll.u32 s4, $0x7  }
0x5: {  	v13 =	vimm.f32 $-Inf;
	s9 =	simm.s32 $0xC00;
	v16 =	vimm.f32 $9.999000000e+03;
	s10 =	simm.s32 $0x0;
	s7 =	sshll.u32 s0, $0x9;
	v2 =	vmov s6  }
0x6: {  	[smem:$0x7FF] =	sst s2;
	s4 =	ssub.s32 $0x2, s4;
	s6 =	sor.u32 s6, s7;
	v4 =	vor.u32 $0x1, v1;
	v5 =	vor.u32 $0x2, v1;
	v6 =	vor.u32 $0x3, v1  }
0x7: {  	_ =	strace $0x80000047;
	s31 =	sshrl.u32 s4, $0x1;
	v7 =	vor.u32 $0x4, v1;
	v8 =	vor.u32 $0x5, v1;
	v9 =	vor.u32 $0x6, v1;
	s5 =	sadd.s32 s6, s5  }
0x8: {  	v10 =	vor.u32 $0x7, v1;
	v11 =	vor.u32 $0x8, v1;
	v14 =	vor.u32 $0x10, v1;
	s7 =	ssub.s32 s4, s31;
	s3 =	sadd.s32 s3, s6;
	s6 =	simm.s32 $0x400  }
0x9: {  	v15 =	vor.u32 $0x15, v1;
	v17 =	vor.u32 $0x16, v1;
	v18 =	vor.u32 $0x17, v1;
	s4 =	sadd.s32 $0xA00, s5;
	s5 =	smax.u32 s7, $0x1;
	s7 =	simm.s32 $0x800  }
.LBB2_1:
0xa: {  	s11 =	simm.s32 $0xF;
	s12 =	simm.s32 $0x0  }
0xb: {  	s18 =	simm.s32 $0x1;
	s13 =	simm.s32 $0x2;
	s19 =	simm.s32 $0x3;
	v19 =	vmov s12;
	v20 =	vmov s11  }
0xc: {  	s20 =	simm.s32 $0x4;
	s21 =	simm.s32 $0x5;
	s22 =	simm.s32 $0x6;
	v21 =	vmov s18;
	v22 =	vmov s13;
	v23 =	vmov s19  }
0xd: {  	s23 =	simm.s32 $0x7;
	s24 =	simm.s32 $0x8;
	s25 =	simm.s32 $0x9;
	v24 =	vmov s20;
	v25 =	vmov s21;
	v26 =	vmov s22  }
0xe: {  	s26 =	simm.s32 $0xA;
	s28 =	simm.s32 $0xB;
	s29 =	simm.s32 $0xC;
	v27 =	vmov s23;
	v28 =	vmov s24;
	v29 =	vmov s25  }
0xf: {  	s30 =	simm.s32 $0xD;
	s31 =	simm.s32 $0xE;
	s15 =	simm.s32 $0x10;
	v30 =	vmov s26;
	v31 =	vmov s28;
	v32 =	vmov s29  }
0x10: {  	s16 =	simm.s32 $0x11;
	s17 =	simm.s32 $0x12;
	v33 =	vmov s30;
	v34 =	vmov s31;
	v36 =	vmov s15  }
0x11: {  	v37 =	vmov s16;
	v38 =	vmov s17;
	v21 =	vand.u32 $0x71, v21  }
0x12: {  	v19 =	vand.u32 $0x70, v19;
	v22 =	vand.u32 $0x72, v22;
	v21 =	vbroadcast v21, $0x0  }
0x13: {  	v23 =	vand.u32 $0x73, v23;
	v24 =	vand.u32 $0x74, v24;
	v19 =	vbroadcast v19, $0x0  }
0x14: {  	v25 =	vand.u32 $0x75, v25;
	v22 =	vbroadcast v22, $0x0;
	v21 =	vor.u32 v1, v21  }
0x15: {  	[tilespmem:s2], [sflag:$0x1] =	stream.strided.gather [hbm4b:s3+s6], $0x800, s7, s6, $0x38;
	v26 =	vand.u32 $0x76, v26;
	v23 =	vbroadcast v23, $0x0;
	v19 =	vor.u32 v1, v19;
	[tilespmem:$0x1400] =	vst v63  }
0x16: {  	_ =	swait.ge [sflag:s8], $0x800;
	v27 =	vand.u32 $0x77, v27;
	v24 =	vbroadcast v24, $0x0;
	v22 =	vor.u32 v1, v22  }
0x17: {  	[sflag:s8] =	ssyncset.done $0x0;
	v57 =	vand.u32 $0x7D, v33;
	v25 =	vbroadcast v25, $0x0;
	v23 =	vor.u32 v1, v23  }
0x18: {  	v58 =	vand.u32 $0x7E, v34;
	v26 =	vbroadcast v26, $0x0;
	[sflag:s8] =	ssyncadd.s32 $0xFFFFF800;
	v24 =	vor.u32 v1, v24  }
0x19: {  	v20 =	vand.u32 $0x7F, v20;
	v27 =	vbroadcast v27, $0x0;
	v25 =	vor.u32 v1, v25;
	v21 =	vld.idx.msk [tilespmem:v21+s2+$0x0], $0xffff  }
0x1a: {  	v33 =	vbroadcast v58, $0x0;
	v20 =	vbroadcast v20, $0x0;
	v26 =	vor.u32 v1, v26;
	v35 =	vld.idx.msk [tilespmem:v19+s2+$0x0], $0xffff  }
0x1b: {  	v28 =	vand.u32 $0x78, v28;
	v29 =	vand.u32 $0x79, v29;
	v27 =	vor.u32 v1, v27;
	v22 =	vld.idx.msk [tilespmem:v22+s2+$0x0], $0xffff  }
0x1c: {  	v33 =	vor.u32 v1, v33;
	v39 =	vor.u32 v1, v20;
	v19 =	vbroadcast v28, $0x0;
	v23 =	vld.idx.msk [tilespmem:v23+s2+$0x0], $0xffff  }
0x1d: {  	v28 =	vbroadcast v29, $0x0;
	v29 =	vand.u32 $0x7A, v30;
	v30 =	vand.u32 $0x7B, v31;
	v24 =	vld.idx.msk [tilespmem:v24+s2+$0x0], $0xffff  }
0x1e: {  	s18 =	simm.s32 $0x13;
	v31 =	vand.u32 $0x7C, v32;
	v25 =	vld.idx.msk [tilespmem:v25+s2+$0x0], $0xffff;
	v32 =	vbroadcast v57, $0x0;
	v19 =	vor.u32 v1, v19  }
0x1f: {  	s19 =	simm.s32 $0x14;
	v40 =	vmov s18;
	v26 =	vld.idx.msk [tilespmem:v26+s2+$0x0], $0xffff;
	v29 =	vbroadcast v29, $0x0;
	v28 =	vor.u32 v1, v28  }
0x20: {  	s20 =	simm.s32 $0x15;
	v41 =	vmov s19;
	v27 =	vld.idx.msk [tilespmem:v27+s2+$0x0], $0xffff;
	v30 =	vbroadcast v30, $0x0;
	v32 =	vor.u32 v1, v32  }
0x21: {  	s21 =	simm.s32 $0x16;
	s22 =	simm.s32 $0x17;
	v42 =	vmov s20;
	v33 =	vld.idx.msk [tilespmem:v33+s2+$0x0], $0xffff;
	v31 =	vbroadcast v31, $0x0;
	v29 =	vor.u32 v1, v29  }
0x22: {  	s23 =	simm.s32 $0x18;
	s24 =	simm.s32 $0x19;
	v43 =	vmov s21;
	v44 =	vmov s22;
	v39 =	vld.idx.msk [tilespmem:v39+s2+$0x0], $0xffff;
	v30 =	vor.u32 v1, v30  }
0x23: {  	s25 =	simm.s32 $0x1A;
	s26 =	simm.s32 $0x1B;
	s28 =	simm.s32 $0x1C;
	v45 =	vmov s23;
	v46 =	vmov s24;
	v31 =	vor.u32 v1, v31;
	v59 =	vld.idx.msk [tilespmem:v19+s2+$0x0], $0xffff  }
0x24: {  	s29 =	simm.s32 $0x1D;
	v47 =	vmov s25;
	v48 =	vmov s26;
	v49 =	vmov s28;
	v28 =	vld.idx.msk [tilespmem:v28+s2+$0x0], $0xffff  }
0x25: {  	s31 =	simm.s32 $0x0;
	v50 =	vmov s29;
	v36 =	vand.u32 $0x70, v36;
	v37 =	vand.u32 $0x71, v37;
	v32 =	vld.idx.msk [tilespmem:v32+s2+$0x0], $0xffff  }
0x26: {  	v51 =	vor.u32 s31, v0;
	v38 =	vand.u32 $0x72, v38;
	v40 =	vand.u32 $0x73, v40;
	v29 =	vld.idx.msk [tilespmem:v29+s2+$0x0], $0xffff  }
0x27: {  	v41 =	vand.u32 $0x74, v41;
	v36 =	vbroadcast v36, $0x0;
	v37 =	vbroadcast v37, $0x0;
	v30 =	vld.idx.msk [tilespmem:v30+s2+$0x0], $0xffff  }
0x28: {  	v42 =	vand.u32 $0x75, v42;
	v38 =	vbroadcast v38, $0x0;
	v62 =	vand.u32 $0x7A, v47;
	v31 =	vld.idx.msk [tilespmem:v31+s2+$0x0], $0xffff  }
0x29: {  	v63 =	vand.u32 $0x7C, v49;
	v21 =	vmax.f32 v35, v21;
	v22 =	vmax.f32 v22, v23  }
0x2a: {  	v21 =	vmax.f32 v21, v22;
	v22 =	vmax.f32 v24, v25;
	v24 =	vmax.f32 v26, v27  }
0x2b: {  	v60 =	vbroadcast v40, $0x0;
	v23 =	vor.u32 v1, v37;
	v22 =	vmax.f32 v22, v24  }
0x2c: {  	v21 =	vmax.f32 v21, v22;
	v25 =	vmax.f32 v59, v28;
	v26 =	vmax.f32 v29, v30  }
0x2d: {  	v28 =	vmax.f32 v33, v39;
	v27 =	vmax.f32 v31, v32;
	v24 =	vmax.f32 v25, v26  }
0x2e: {  	v25 =	vmax.f32 v27, v28;
	v26 =	vor.u32 v1, v36;
	v27 =	vor.u32 v1, v60  }
0x2f: {  	v22 =	vmax.f32 v24, v25;
	v24 =	vor.u32 v1, v38;
	v25 =	vbroadcast v41, $0x0  }
0x30: {  	v28 =	vand.u32 $0x76, v43;
	v21 =	vmax.f32 v21, v22;
	v22 =	vbroadcast v42, $0x0  }
0x31: {  	v29 =	vand.u32 $0x77, v44;
	v28 =	vbroadcast v28, $0x0;
	[tilespmem:v51+s7+$0x0] =	vst.idx.msk $0xffff, v21;
	v25 =	vor.u32 v1, v25  }
0x32: {  	v29 =	vbroadcast v29, $0x0;
	v21 =	vld.idx.msk [tilespmem:v23+s2+$0x0], $0xffff;
	v61 =	vor.u32 v1, v22;
	v23 =	vand.u32 $0x78, v45  }
0x33: {  	v30 =	vor.u32 v1, v28;
	v28 =	vand.u32 $0x79, v46;
	v22 =	vld.idx.msk [tilespmem:v26+s2+$0x0], $0xffff;
	v26 =	vbroadcast v23, $0x0  }
0x34: {  	v34 =	vand.u32 $0x7D, v50;
	v31 =	vor.u32 v1, v29;
	v28 =	vbroadcast v28, $0x0;
	v23 =	vld.idx.msk [tilespmem:v24+s2+$0x0], $0xffff  }
0x35: {  	s30 =	simm.s32 $0x1E;
	v24 =	vld.idx.msk [tilespmem:v27+s2+$0x0], $0xffff;
	v27 =	vbroadcast v62, $0x0;
	v29 =	vor.u32 v1, v26;
	v26 =	vand.u32 $0x7B, v48  }
0x36: {  	s14 =	simm.s32 $0x1F;
	v20 =	vmov s30;
	v28 =	vor.u32 v1, v28;
	v25 =	vld.idx.msk [tilespmem:v25+s2+$0x0], $0xffff;
	v32 =	vbroadcast v26, $0x0  }
0x37: {  	s13 =	simm.s32 $0x2F;
	s11 =	simm.s32 $0x0;
	s12 =	simm.s32 $0x0;
	v19 =	vmov s14;
	v33 =	vbroadcast v63, $0x0;
	v27 =	vor.u32 v1, v27;
	v26 =	vld.idx.msk [tilespmem:v61+s2+$0x0], $0xffff  }
.LBB2_2:
0x38: {  	p0 =	sne.s32 s13, $0x7F;
	v30 =	vld.idx.msk [tilespmem:v30+s11+$0x0], $0xffff;
	v32 =	vor.u32 v1, v32;
	v34 =	vbroadcast v34, $0x0;
	v20 =	vand.u32 $0x7E, v20  }
0x39: {  	v19 =	vand.u32 $0x7F, v19;
	v31 =	vld.idx.msk [tilespmem:v31+s11+$0x0], $0xffff;
	v33 =	vor.u32 v1, v33;
	v20 =	vbroadcast v20, $0x0  }
0x3a: {  	s14 =	sadd.s32 $0xFFFFFFF1, s13;
	v35 =	vbroadcast v19, $0x0;
	v29 =	vld.idx.msk [tilespmem:v29+s11+$0x0], $0xffff;
	v34 =	vor.u32 v1, v34  }
0x3b: {  	s15 =	sadd.s32 $0xFFFFFFF3, s13;
	s12 =	sadd.s32 $0x1, s12;
	v36 =	vmov s14;
	s14 =	sadd.s32 $0xFFFFFFF2, s13;
	v19 =	vmov s13;
	v28 =	vld.idx.msk [tilespmem:v28+s11+$0x0], $0xffff;
	v37 =	vor.u32 v1, v20  }
0x3c: {  	s16 =	sadd.s32 $0xFFFFFFF6, s13;
	v39 =	vmov s15;
	s15 =	sadd.s32 $0xFFFFFFF5, s13;
	v38 =	vmov s14;
	s14 =	sadd.s32 $0xFFFFFFF4, s13;
	v35 =	vor.u32 v1, v35;
	v27 =	vld.idx.msk [tilespmem:v27+s11+$0x0], $0xffff  }
0x3d: {  	v42 =	vmov s16;
	s16 =	sadd.s32 $0xFFFFFFF9, s13;
	v41 =	vmov s15;
	s15 =	sadd.s32 $0xFFFFFFF8, s13;
	v40 =	vmov s14;
	s14 =	sadd.s32 $0xFFFFFFF7, s13;
	v32 =	vld.idx.msk [tilespmem:v32+s11+$0x0], $0xffff  }
0x3e: {  	v45 =	vmov s16;
	s16 =	sadd.s32 $0xFFFFFFFC, s13;
	v44 =	vmov s15;
	s15 =	sadd.s32 $0xFFFFFFFB, s13;
	v43 =	vmov s14;
	s14 =	sadd.s32 $0xFFFFFFFA, s13;
	v33 =	vld.idx.msk [tilespmem:v33+s11+$0x0], $0xffff  }
0x3f: {  	v48 =	vmov s16;
	s16 =	sadd.s32 $0xFFFFFFFF, s13;
	v47 =	vmov s15;
	s15 =	sadd.s32 $0xFFFFFFFE, s13;
	v46 =	vmov s14;
	s14 =	sadd.s32 $0xFFFFFFFD, s13;
	v34 =	vld.idx.msk [tilespmem:v34+s11+$0x0], $0xffff  }
0x40: {  	v20 =	vmov s16;
	v50 =	vmov s15;
	v49 =	vmov s14;
	s14 =	sshll.u32 s12, $0x7;
	v37 =	vld.idx.msk [tilespmem:v37+s11+$0x0], $0xffff  }
0x41: {  	v36 =	vand.u32 $0x70, v36;
	v38 =	vand.u32 $0x71, v38;
	v51 =	vor.u32 s14, v0;
	v35 =	vld.idx.msk [tilespmem:v35+s11+$0x0], $0xffff  }
0x42: {  	v39 =	vand.u32 $0x72, v39;
	v41 =	vand.u32 $0x74, v41;
	v40 =	vand.u32 $0x73, v40  }
0x43: {  	v42 =	vand.u32 $0x75, v42;
	v36 =	vbroadcast v36, $0x0;
	v38 =	vbroadcast v38, $0x0  }
0x44: {  	v21 =	vmax.f32 v22, v21;
	v22 =	vmax.f32 v23, v24;
	v39 =	vbroadcast v39, $0x0  }
0x45: {  	v21 =	vmax.f32 v21, v22;
	v24 =	vbroadcast v40, $0x0;
	v23 =	vor.u32 v1, v38  }
0x46: {  	v22 =	vmax.f32 v25, v26;
	v25 =	vmax.f32 v30, v31;
	v26 =	vmax.f32 v29, v28  }
0x47: {  	v27 =	vmax.f32 v27, v32;
	v28 =	vmax.f32 v33, v34;
	v29 =	vmax.f32 v37, v35  }
0x48: {  	v22 =	vmax.f32 v22, v25;
	v25 =	vmax.f32 v26, v27;
	v26 =	vmax.f32 v28, v29  }
0x49: {  	v21 =	vmax.f32 v21, v22;
	v27 =	vor.u32 v1, v36;
	v22 =	vmax.f32 v25, v26  }
0x4a: {  	v25 =	vor.u32 v1, v39;
	v26 =	vbroadcast v41, $0x0;
	v21 =	vmax.f32 v21, v22  }
0x4b: {  	v24 =	vor.u32 v1, v24;
	v28 =	vand.u32 $0x76, v43;
	v22 =	vbroadcast v42, $0x0;
	[tilespmem:v51+s7+$0x0] =	vst.idx.msk $0xffff, v21  }
0x4c: {  	s11 =	simm.s32 $0x0;
	v29 =	vand.u32 $0x77, v44;
	v28 =	vbroadcast v28, $0x0;
	v26 =	vor.u32 v1, v26  }
0x4d: {  	v29 =	vbroadcast v29, $0x0;
	v33 =	vor.u32 v1, v22;
	v21 =	vld.idx.msk [tilespmem:v23+s11+$0x0], $0xffff;
	v23 =	vand.u32 $0x78, v45  }
.Ltmp0:
0x4e: {  	v30 =	vor.u32 v1, v28;
	v28 =	vand.u32 $0x79, v46;
	v22 =	vld.idx.msk [tilespmem:v27+s11+$0x0], $0xffff;
	v27 =	vbroadcast v23, $0x0;
	(pc) =	sbr.rel @p0 .LBB2_2-.Ltmp0, $4  }
0x4f: {  	v31 =	vor.u32 v1, v29;
	v28 =	vbroadcast v28, $0x0;
	v23 =	vld.idx.msk [tilespmem:v25+s11+$0x0], $0xffff;
	v25 =	vand.u32 $0x7A, v47  }
0x50: {  	v32 =	vand.u32 $0x7B, v48;
	v24 =	vld.idx.msk [tilespmem:v24+s11+$0x0], $0xffff;
	v29 =	vor.u32 v1, v27;
	v27 =	vbroadcast v25, $0x0  }
0x51: {  	v32 =	vbroadcast v32, $0x0;
	v34 =	vand.u32 $0x7C, v49;
	v28 =	vor.u32 v1, v28;
	v25 =	vld.idx.msk [tilespmem:v26+s11+$0x0], $0xffff  }
0x52: {  	s13 =	sadd.s32 $0x10, s13;
	v26 =	vld.idx.msk [tilespmem:v33+s11+$0x0], $0xffff;
	v27 =	vor.u32 v1, v27;
	v33 =	vbroadcast v34, $0x0;
	v34 =	vand.u32 $0x7D, v50  }
0x53: {  	_ =	sdelay $0x3  }
0x54: {  	v30 =	vld.idx.msk [tilespmem:v30+s11+$0x0], $0xffff;
	v32 =	vor.u32 v1, v32;
	v34 =	vbroadcast v34, $0x0;
	v20 =	vand.u32 $0x7E, v20  }
0x55: {  	v31 =	vld.idx.msk [tilespmem:v31+s11+$0x0], $0xffff;
	v19 =	vand.u32 $0x7F, v19;
	v33 =	vor.u32 v1, v33;
	v20 =	vbroadcast v20, $0x0  }
0x56: {  	v29 =	vld.idx.msk [tilespmem:v29+s11+$0x0], $0xffff;
	v19 =	vbroadcast v19, $0x0;
	v34 =	vor.u32 v1, v34  }
0x57: {  	v28 =	vld.idx.msk [tilespmem:v28+s11+$0x0], $0xffff;
	v20 =	vor.u32 v1, v20  }
0x58: {  	v27 =	vld.idx.msk [tilespmem:v27+s11+$0x0], $0xffff;
	v19 =	vor.u32 v1, v19  }
0x59: {  	v32 =	vld.idx.msk [tilespmem:v32+s11+$0x0], $0xffff  }
0x5a: {  	v33 =	vld.idx.msk [tilespmem:v33+s11+$0x0], $0xffff  }
0x5b: {  	v34 =	vld.idx.msk [tilespmem:v34+s11+$0x0], $0xffff  }
0x5c: {  	v20 =	vld.idx.msk [tilespmem:v20+s11+$0x0], $0xffff  }
0x5d: {  	v19 =	vld.idx.msk [tilespmem:v19+s11+$0x0], $0xffff  }
0x5e: {  	s12 =	sadd.s32 $0x1, s12  }
0x5f: {  	v21 =	vmax.f32 v22, v21;
	s12 =	sshll.u32 s12, $0x7;
	v22 =	vmax.f32 v23, v24  }
0x60: {  	v23 =	vor.u32 s12, v0;
	v21 =	vmax.f32 v21, v22  }
0x61: {  	v22 =	vmax.f32 v25, v26;
	v24 =	vmax.f32 v30, v31;
	v25 =	vmax.f32 v29, v28  }
0x62: {  	v26 =	vmax.f32 v27, v32;
	v27 =	vmax.f32 v33, v34;
	v19 =	vmax.f32 v20, v19  }
0x63: {  	v20 =	vmax.f32 v22, v24;
	v22 =	vmax.f32 v25, v26;
	v19 =	vmax.f32 v27, v19  }
0x64: {  	v20 =	vmax.f32 v21, v20;
	v19 =	vmax.f32 v22, v19  }
0x65: {  	v19 =	vmax.f32 v20, v19  }
0x66: {  	[tilespmem:v23+s7+$0x0] =	vst.idx.msk $0xffff, v19  }
0x67: {  	v20 =	vld [tilespmem:$0x800]  }
0x68: {  	v21 =	vld [tilespmem:$0xB80]  }
0x69: {  	v22 =	vld [tilespmem:$0xB00]  }
0x6a: {  	v23 =	vld [tilespmem:$0xA80]  }
0x6b: {  	v24 =	vld [tilespmem:$0xA00]  }
0x6c: {  	v25 =	vld [tilespmem:$0x980]  }
0x6d: {  	v26 =	vld [tilespmem:$0x900]  }
0x6e: {  	v27 =	vld [tilespmem:$0x880];
	_ =	sdelay $0x3  }
0x6f: {  	v19 =	vmax.f32 v22, v21  }
0x70: {  	v28 =	vmax.f32 v24, v23;
	v29 =	vmax.f32 v26, v25;
	v30 =	vmax.f32 v20, v27  }
0x71: {  	v19 =	vmax.f32 v28, v19;
	v28 =	vmax.f32 v30, v29  }
0x72: {  	v19 =	vmax.f32 v28, v19  }
0x73: {  	vm0 =	veq.f32 v21, v19  }
0x74: {  	vm1 =	veq.f32 v22, v19;
	v21 =	vsel vm0, $0x7, v3  }
0x75: {  	vm0 =	veq.f32 v23, v19;
	v21 =	vsel vm1, $0x6, v21  }
0x76: {  	vm1 =	veq.f32 v24, v19;
	v21 =	vsel vm0, $0x5, v21  }
0x77: {  	vm0 =	veq.f32 v25, v19;
	v21 =	vsel vm1, $0x4, v21  }
0x78: {  	vm1 =	veq.f32 v26, v19;
	v21 =	vsel vm0, $0x3, v21  }
0x79: {  	vm0 =	veq.f32 v27, v19;
	v21 =	vsel vm1, $0x2, v21  }
0x7a: {  	vm1 =	veq.f32 v20, v19;
	v20 =	vsel vm0, $0x1, v21  }
0x7b: {  	v24 =	vsel vm1, $0x0, v20  }
0x7c: {  	v20 =	vshll.u32 v24, $0x4  }
0x7d: {  	v27 =	vadd.s32 v1, v20  }
0x7e: {  	v21 =	vor.u32 $0xF, v27  }
0x7f: {  	v22 =	vor.u32 $0xE, v27  }
0x80: {  	v23 =	vor.u32 $0xD, v27  }
0x81: {  	v25 =	vor.u32 $0xC, v27  }
0x82: {  	v26 =	vor.u32 $0xB, v27  }
0x83: {  	v28 =	vor.u32 $0xA, v27;
	v21 =	vld.idx.msk [tilespmem:v21+s2+$0x0], $0xffff  }
0x84: {  	v29 =	vor.u32 $0x9, v27;
	v22 =	vld.idx.msk [tilespmem:v22+s2+$0x0], $0xffff  }
0x85: {  	v30 =	vadd.s32 v11, v20;
	v31 =	vld.idx.msk [tilespmem:v23+s2+$0x0], $0xffff  }
0x86: {  	v23 =	vadd.s32 v10, v20;
	v57 =	vld.idx.msk [tilespmem:v25+s2+$0x0], $0xffff  }
0x87: {  	v25 =	vadd.s32 v9, v20;
	v58 =	vld.idx.msk [tilespmem:v26+s2+$0x0], $0xffff  }
0x88: {  	v26 =	vadd.s32 v8, v20;
	v59 =	vld.idx.msk [tilespmem:v28+s2+$0x0], $0xffff;
	vm0 =	veq.f32 v21, v19  }
0x89: {  	v28 =	vadd.s32 v7, v20;
	v36 =	vld.idx.msk [tilespmem:v29+s2+$0x0], $0xffff;
	vm1 =	veq.f32 v22, v19;
	v29 =	vsel vm0, $0xF, v12  }
0x8a: {  	v35 =	vadd.s32 v6, v20;
	v30 =	vld.idx.msk [tilespmem:v30+s2+$0x0], $0xffff;
	vm0 =	veq.f32 v31, v19;
	v29 =	vsel vm1, $0xE, v29  }
0x8b: {  	v37 =	vadd.s32 v5, v20;
	v38 =	vld.idx.msk [tilespmem:v23+s2+$0x0], $0xffff;
	vm1 =	veq.f32 v57, v19;
	v23 =	vsel vm0, $0xD, v29  }
0x8c: {  	v39 =	vld.idx.msk [tilespmem:v25+s2+$0x0], $0xffff;
	v29 =	vadd.s32 v4, v20;
	vm0 =	veq.f32 v58, v19;
	v25 =	vsel vm1, $0xC, v23  }
0x8d: {  	v23 =	vld.idx.msk [tilespmem:v26+s2+$0x0], $0xffff;
	vm1 =	veq.f32 v59, v19;
	v25 =	vsel vm0, $0xB, v25  }
0x8e: {  	v40 =	vld.idx.msk [tilespmem:v28+s2+$0x0], $0xffff;
	vm0 =	veq.f32 v36, v19;
	v26 =	vsel vm1, $0xA, v25  }
0x8f: {  	v25 =	vld.idx.msk [tilespmem:v35+s2+$0x0], $0xffff;
	vm1 =	veq.f32 v30, v19;
	v28 =	vsel vm0, $0x9, v26  }
0x90: {  	v60 =	vshll.u32 v24, $0x7;
	v26 =	vld.idx.msk [tilespmem:v37+s2+$0x0], $0xffff;
	vm0 =	veq.f32 v38, v19;
	v28 =	vsel vm1, $0x8, v28  }
0x91: {  	v24 =	vmax.f32 v22, v21;
	v61 =	vld.idx.msk [tilespmem:v29+s2+$0x0], $0xffff;
	vm1 =	veq.f32 v39, v19;
	v28 =	vsel vm0, $0x7, v28  }
0x92: {  	v42 =	vld.idx.msk [tilespmem:v27+s2+$0x0], $0xffff;
	v41 =	vmax.f32 v57, v31;
	vm0 =	veq.f32 v23, v19;
	v27 =	vsel vm1, $0x6, v28  }
0x93: {  	v43 =	vmax.f32 v59, v58;
	vm1 =	veq.f32 v40, v19;
	v27 =	vsel vm0, $0x5, v27  }
0x94: {  	v44 =	vmax.f32 v30, v36;
	vm0 =	veq.f32 v25, v19;
	v27 =	vsel vm1, $0x4, v27  }
0x95: {  	v45 =	vmax.f32 v39, v38;
	vm1 =	veq.f32 v26, v19;
	v27 =	vsel vm0, $0x3, v27  }
0x96: {  	v46 =	vmax.f32 v40, v23;
	vm0 =	veq.f32 v61, v19;
	v27 =	vsel vm1, $0x2, v27  }
0x97: {  	v28 =	vmax.f32 v26, v25;
	vm1 =	veq.f32 v42, v19;
	v27 =	vsel vm0, $0x1, v27  }
0x98: {  	v47 =	vmax.f32 v42, v61;
	v29 =	vsel vm1, $0x0, v27;
	v27 =	vor.u32 v0, v60  }
0x99: {  	vm2 =	veq.s32 v29, $0xB;
	vm3 =	veq.s32 v29, $0xD;
	vm0 =	veq.s32 v29, $0xE  }
0x9a: {  	vm5 =	veq.s32 v29, $0x0;
	vm6 =	veq.s32 v29, $0x1;
	vm1 =	veq.s32 v29, $0x3  }
0x9b: {  	vm7 =	veq.s32 v29, $0x6;
	vm8 =	veq.s32 v29, $0x7;
	vm4 =	veq.s32 v29, $0x9  }
0x9c: {  	vm9 =	veq.s32 v29, $0xC;
	vm10 =	veq.s32 v29, $0x8;
	vm11 =	veq.s32 v29, $0xA  }
0x9d: {  	v44 =	vsel vm4, v30, v44;
	v34 =	vsel vm2, v59, v43;
	v62 =	vsel vm3, v57, v41  }
0x9e: {  	vm2 =	veq.s32 v29, $0x2;
	vm4 =	veq.s32 v29, $0xF;
	v30 =	vsel vm8, v39, v45  }
0x9f: {  	vm3 =	veq.s32 v29, $0x4;
	v63 =	vsel vm6, v42, v47;
	vm6 =	veq.s32 v29, $0x5  }
0xa0: {  	v30 =	vsel vm7, v38, v30;
	v32 =	vsel vm11, v58, v34;
	v31 =	vsel vm9, v31, v62  }
0xa1: {  	s12 =	simm.s32 $0x1;
	v33 =	vsel vm5, v61, v63;
	v35 =	vsel vm6, v40, v46;
	v34 =	vsel vm10, v36, v44  }
.LBB2_4:
0xa2: {  	p0 =	sne.s32 s12, $0x4;
	v20 =	vadd.s32 v20, v29;
	v26 =	vsel vm1, v26, v28;
	v22 =	vsel vm4, v22, v24;
	s13 =	smov.u32 s12;
	s12 =	sadd.s32 $0x1, s12  }
0xa3: {  	v24 =	vadd.s32 v1, v20;
	v25 =	vsel vm2, v25, v26;
	v21 =	vsel vm0, v21, v22  }
0xa4: {  	v22 =	vsel vm3, v23, v35;
	v23 =	vmax.f32 v33, v25;
	v25 =	vmax.f32 v34, v32  }
0xa5: {  	v26 =	vor.u32 s11, v1;
	v22 =	vmax.f32 v22, v30;
	v21 =	vmax.f32 v31, v21  }
0xa6: {  	v22 =	vmax.f32 v23, v22;
	v21 =	vmax.f32 v25, v21;
	v23 =	vor.u32 s11, v14;
	s11 =	smov.u32 s13;
	_ =	sdelay $0x1  }
0xa7: {  	v20 =	vadd.s32 v2, v20;
	v21 =	vmax.f32 v22, v21;
	[tilespmem:v24+s2+$0x0] =	vst.idx.msk $0xffff, v13  }
0xa8: {  	v20 =	vcvt.s32.f32 v20;
	[tilespmem:v27+s7+$0x0] =	vst.idx.msk $0xffff, v21  }
0xa9: {  	[tilespmem:v26+s9+$0x0] =	vst.idx.msk $0xffff, v19  }
0xaa: {  	[tilespmem:v23+s9+$0x0] =	vst.idx.msk $0xffff, v20  }
0xab: {  	v20 =	vld [tilespmem:$0x800]  }
0xac: {  	v21 =	vld [tilespmem:$0xB80]  }
0xad: {  	v22 =	vld [tilespmem:$0xB00]  }
0xae: {  	v23 =	vld [tilespmem:$0xA80]  }
0xaf: {  	v24 =	vld [tilespmem:$0xA00]  }
0xb0: {  	v25 =	vld [tilespmem:$0x980]  }
0xb1: {  	v26 =	vld [tilespmem:$0x900]  }
0xb2: {  	v27 =	vld [tilespmem:$0x880];
	v19 =	vmax.f32 v22, v21;
	_ =	sdelay $0x1  }
0xb3: {  	v28 =	vmax.f32 v24, v23  }
0xb4: {  	v19 =	vmax.f32 v28, v19  }
0xb5: {  	v28 =	vmax.f32 v26, v25  }
0xb6: {  	v29 =	vmax.f32 v20, v27  }
0xb7: {  	v28 =	vmax.f32 v29, v28  }
0xb8: {  	v19 =	vmax.f32 v28, v19  }
0xb9: {  	vm0 =	veq.f32 v27, v19;
	vm1 =	veq.f32 v21, v19  }
0xba: {  	vm2 =	veq.f32 v22, v19;
	v21 =	vsel vm1, $0x7, v3  }
0xbb: {  	vm1 =	veq.f32 v23, v19;
	v21 =	vsel vm2, $0x6, v21  }
0xbc: {  	vm2 =	veq.f32 v24, v19;
	v21 =	vsel vm1, $0x5, v21  }
0xbd: {  	vm1 =	veq.f32 v25, v19;
	v21 =	vsel vm2, $0x4, v21  }
0xbe: {  	vm2 =	veq.f32 v26, v19;
	v21 =	vsel vm1, $0x3, v21  }
0xbf: {  	v21 =	vsel vm2, $0x2, v21  }
0xc0: {  	vm1 =	veq.f32 v20, v19;
	v20 =	vsel vm0, $0x1, v21  }
0xc1: {  	v21 =	vsel vm1, $0x0, v20  }
0xc2: {  	v20 =	vshll.u32 v21, $0x4;
	v27 =	vshll.u32 v21, $0x7  }
0xc3: {  	v28 =	vadd.s32 v1, v20;
	v23 =	vadd.s32 v10, v20;
	v24 =	vadd.s32 v11, v20  }
0xc4: {  	v25 =	vor.u32 $0xD, v28;
	v22 =	vor.u32 $0xE, v28;
	v21 =	vor.u32 $0xF, v28  }
0xc5: {  	v26 =	vor.u32 $0xA, v28;
	v29 =	vor.u32 $0xB, v28;
	v30 =	vor.u32 $0xC, v28  }
0xc6: {  	v31 =	vadd.s32 v8, v20;
	v32 =	vadd.s32 v9, v20;
	v33 =	vor.u32 $0x9, v28  }
0xc7: {  	v34 =	vadd.s32 v5, v20;
	v35 =	vadd.s32 v6, v20;
	v36 =	vadd.s32 v7, v20  }
0xc8: {  	v37 =	vadd.s32 v4, v20  }
0xc9: {  	v21 =	vld.idx.msk [tilespmem:v21+s2+$0x0], $0xffff  }
0xca: {  	v22 =	vld.idx.msk [tilespmem:v22+s2+$0x0], $0xffff  }
0xcb: {  	v38 =	vld.idx.msk [tilespmem:v25+s2+$0x0], $0xffff  }
0xcc: {  	v30 =	vld.idx.msk [tilespmem:v30+s2+$0x0], $0xffff  }
0xcd: {  	v39 =	vld.idx.msk [tilespmem:v29+s2+$0x0], $0xffff  }
0xce: {  	v40 =	vld.idx.msk [tilespmem:v26+s2+$0x0], $0xffff  }
0xcf: {  	vm0 =	veq.f32 v21, v19;
	v41 =	vld.idx.msk [tilespmem:v33+s2+$0x0], $0xffff  }
0xd0: {  	vm1 =	veq.f32 v22, v19;
	v25 =	vsel vm0, $0xF, v12;
	v33 =	vld.idx.msk [tilespmem:v24+s2+$0x0], $0xffff;
	v24 =	vmax.f32 v22, v21  }
0xd1: {  	vm0 =	veq.f32 v38, v19;
	v42 =	vld.idx.msk [tilespmem:v23+s2+$0x0], $0xffff;
	v23 =	vsel vm1, $0xE, v25  }
0xd2: {  	vm1 =	veq.f32 v30, v19;
	v43 =	vmax.f32 v30, v38;
	v32 =	vld.idx.msk [tilespmem:v32+s2+$0x0], $0xffff;
	v25 =	vsel vm0, $0xD, v23  }
0xd3: {  	vm0 =	veq.f32 v39, v19;
	v23 =	vld.idx.msk [tilespmem:v31+s2+$0x0], $0xffff;
	v25 =	vsel vm1, $0xC, v25  }
0xd4: {  	vm1 =	veq.f32 v40, v19;
	v31 =	vmax.f32 v40, v39;
	v36 =	vld.idx.msk [tilespmem:v36+s2+$0x0], $0xffff;
	v26 =	vsel vm0, $0xB, v25  }
0xd5: {  	vm0 =	veq.f32 v41, v19;
	v25 =	vld.idx.msk [tilespmem:v35+s2+$0x0], $0xffff;
	v29 =	vsel vm1, $0xA, v26  }
0xd6: {  	vm1 =	veq.f32 v33, v19;
	v26 =	vld.idx.msk [tilespmem:v34+s2+$0x0], $0xffff;
	v29 =	vsel vm0, $0x9, v29;
	v34 =	vmax.f32 v33, v41  }
0xd7: {  	vm0 =	veq.f32 v42, v19;
	v35 =	vld.idx.msk [tilespmem:v37+s2+$0x0], $0xffff;
	v29 =	vsel vm1, $0x8, v29  }
0xd8: {  	vm1 =	veq.f32 v32, v19;
	v44 =	vmax.f32 v32, v42;
	v37 =	vld.idx.msk [tilespmem:v28+s2+$0x0], $0xffff;
	v28 =	vsel vm0, $0x7, v29  }
0xd9: {  	vm0 =	veq.f32 v23, v19;
	v28 =	vsel vm1, $0x6, v28  }
0xda: {  	vm1 =	veq.f32 v36, v19;
	v45 =	vmax.f32 v36, v23;
	v28 =	vsel vm0, $0x5, v28  }
0xdb: {  	vm0 =	veq.f32 v25, v19;
	v28 =	vsel vm1, $0x4, v28  }
0xdc: {  	vm1 =	veq.f32 v26, v19;
	v29 =	vsel vm0, $0x3, v28;
	v28 =	vmax.f32 v26, v25  }
0xdd: {  	vm0 =	veq.f32 v35, v19;
	v29 =	vsel vm1, $0x2, v29  }
0xde: {  	vm1 =	veq.f32 v37, v19;
	v29 =	vsel vm0, $0x1, v29  }
0xdf: {  	v27 =	vor.u32 v0, v27;
	v46 =	vmax.f32 v37, v35;
	v29 =	vsel vm1, $0x0, v29  }
0xe0: {  	vm2 =	veq.s32 v29, $0xB;
	vm3 =	veq.s32 v29, $0xD;
	vm0 =	veq.s32 v29, $0xE  }
0xe1: {  	vm5 =	veq.s32 v29, $0x0;
	vm6 =	veq.s32 v29, $0x1;
	vm1 =	veq.s32 v29, $0x3  }
0xe2: {  	vm7 =	veq.s32 v29, $0x6;
	vm8 =	veq.s32 v29, $0x7;
	vm4 =	veq.s32 v29, $0x9  }
0xe3: {  	vm9 =	veq.s32 v29, $0xC;
	v34 =	vsel vm4, v33, v34;
	v31 =	vsel vm2, v40, v31  }
.Ltmp1:
0xe4: {  	vm10 =	veq.s32 v29, $0x8;
	vm11 =	veq.s32 v29, $0xA;
	v33 =	vsel vm3, v30, v43;
	(pc) =	sbr.rel @p0 .LBB2_4-.Ltmp1, $4  }
0xe5: {  	vm2 =	veq.s32 v29, $0x2;
	vm4 =	veq.s32 v29, $0xF;
	v30 =	vsel vm8, v32, v44  }
0xe6: {  	vm3 =	veq.s32 v29, $0x4;
	v37 =	vsel vm6, v37, v46;
	v30 =	vsel vm7, v42, v30  }
0xe7: {  	vm6 =	veq.s32 v29, $0x5;
	v32 =	vsel vm11, v39, v31;
	v31 =	vsel vm9, v38, v33  }
0xe8: {  	v33 =	vsel vm5, v35, v37;
	v35 =	vsel vm6, v36, v45;
	v34 =	vsel vm10, v41, v34  }
0xe9: {  	v20 =	vadd.s32 v20, v29  }
0xea: {  	v26 =	vsel vm1, v26, v28;
	v22 =	vsel vm4, v22, v24;
	v58 =	vadd.s32 v1, v20  }
0xeb: {  	v59 =	vsel vm3, v23, v35;
	v61 =	vmax.f32 v34, v32;
	v62 =	vor.u32 s11, v1  }
0xec: {  	v63 =	vor.u32 s11, v14;
	v25 =	vsel vm2, v25, v26;
	v21 =	vsel vm0, v21, v22  }
0xed: {  	v22 =	vmax.f32 v59, v30;
	v60 =	vmax.f32 v33, v25;
	v21 =	vmax.f32 v31, v21  }
0xee: {  	v22 =	vmax.f32 v60, v22;
	v21 =	vmax.f32 v61, v21  }
0xef: {  	v20 =	vadd.s32 v2, v20;
	v21 =	vmax.f32 v22, v21;
	[tilespmem:v58+s2+$0x0] =	vst.idx.msk $0xffff, v13  }
0xf0: {  	v20 =	vcvt.s32.f32 v20;
	[tilespmem:v27+s7+$0x0] =	vst.idx.msk $0xffff, v21  }
0xf1: {  	[tilespmem:v62+s9+$0x0] =	vst.idx.msk $0xffff, v19  }
0xf2: {  	[tilespmem:v63+s9+$0x0] =	vst.idx.msk $0xffff, v20  }
0xf3: {  	[tilespmem:v8+s9+$0x0] =	vst.idx.msk $0xffff, v13  }
0xf4: {  	[tilespmem:v15+s9+$0x0] =	vst.idx.msk $0xffff, v16  }
0xf5: {  	[tilespmem:v9+s9+$0x0] =	vst.idx.msk $0xffff, v13  }
0xf6: {  	s10 =	sadd.s32 $0x1, s10;
	[tilespmem:v17+s9+$0x0] =	vst.idx.msk $0xffff, v16  }
0xf7: {  	p0 =	sne.s32 s10, s5;
	[tilespmem:v10+s9+$0x0] =	vst.idx.msk $0xffff, v13  }
.Ltmp2:
0xf8: {  	[tilespmem:v18+s9+$0x0] =	vst.idx.msk $0xffff, v16;
	(pc) =	sbr.rel @p0 .LBB2_1-.Ltmp2, $4  }
0xf9: {  	[hbm4b:s4+s6] =	stream.strided.scatter [tilespmem:s9], [sflag:$0x1], $0x800, s7, s6, $0x38;
	[tilespmem:$0x1400] =	vst v63  }
0xfa: {  	_ =	swait.ge [sflag:s8], $0x800  }
0xfb: {  	[sflag:s8] =	ssyncset.done $0x0  }
0xfc: {  	[sflag:s8] =	ssyncadd.s32 $0xFFFFF800  }
0xfd: {  	_ =	sfence.sel $0x180000  }
0xfe: {  	[bflag:$0x0] =	sbarrier.arrive $0xFFFF  }
0xff: {  	p0 =	sne.s32 s0, $0x0;
	_ =	strace $0x90000047  }
0x100: {  	s0 =	sadd.s32 @!p0 $0x100000, s1;
	[bflag:$0x2] =	sbarrier.arrive $0xFFFF  }
0x101: {  	[sflag:s0] =	ssyncadd.tile.s32 @!p0 $0x1;
	_ =	shalt  }
.Lfunc_end2:
_tile_overlayer_lowered:
.L_overlay_start_2:
0x102: {  	(tag) =	ssettag $0x2  }
0x103: {  	s0 =	rddreg [dreg:$0x0];
	s2 =	stileid.u32  }
0x104: {  	s1 =	rddreg [dreg:$0x1];
	p0 =	sne.s32 s2, $0x0  }
0x105: {  	s3 =	rddreg [dreg:$0x2];
	[bflag:$0x3] =	sbarrier.arrive $0xFFFF;
	s2 =	simm.s32 @!p0 $0x1C01  }
0x106: {  	[timem:s3], [sflag:s2] =	dma.local @!p0 [hbm:s0], s1  }
0x107: {  	s0 =	simm.s32 @!p0 $0x1  }
0x108: {  	_ =	swait.ge @!p0 [sflag:s0], s1  }
0x109: {  	s1 =	ssub.s32 @!p0 $0x0, s1;
	[sflag:s0] =	ssyncset.done @!p0 $0x0  }
0x10a: {  	[sflag:s0] =	ssyncadd.s32 @!p0 s1  }
0x10b: {  	[bflag:$0x3] =	sbarrier.arrive $0xFFFF  }
0x10c: {  	_ =	shalt  }

</sc_bundles>
